<compile_context>
chip_gen: v7x
topology: tpu7x:2x2x1
jax: 0.10.2.dev20260603
libtpu: 0.0.44.dev20260713+nightly
codegen_flags: <defaults>
</compile_context>

<pallas_src>
import functools

import jax
import jax.numpy as jnp
from jax import lax
from jax.experimental import pallas as pl
from jax.experimental.pallas import tpu as pltpu
from jax.experimental.pallas import tpu_sc as plsc

N, E, C, H = 10000, 320000, 128, 16

_info = plsc.get_sparse_core_info()
NC, NS = _info.num_cores, _info.num_subcores
NW = NC * NS
CH = 128
NCHUNK = E // CH
ECB = NCHUNK // NW
NEXTRA = NCHUNK - ECB * NW
RPS = N // NS
FR = N * H // 128
CB = 6
NG = ECB // CB
NBUF = 6
NGM = (NG // NBUF) * NBUF
GR = CB * CH


def _mm1_body(x_ref, w_ref, y_ref):
    y_ref[...] = jnp.dot(x_ref[...], w_ref[...],
                         preferred_element_type=jnp.float32)


def _mlp_body(y_ref, p_ref, s_ref, b1_ref, w2_ref, b2_ref, o_ref):
    h = s_ref[0, 0] * y_ref[...] + p_ref[0] + p_ref[1] + b1_ref[...]
    h = jnp.maximum(h, 0.0)
    h = jnp.dot(h, w2_ref[...], preferred_element_type=jnp.float32) + b2_ref[...]
    o_ref[...] = jnp.maximum(h, 0.0)


def _make_scatter():
    mesh = plsc.VectorSubcoreMesh(core_axis_name="c", subcore_axis_name="s")

    @functools.partial(
        pl.kernel,
        mesh=mesh,
        out_type=jax.ShapeDtypeStruct((NC, N, H), jnp.float32),
        compiler_params=pltpu.CompilerParams(use_tc_tiling_on_sc=False),
        scratch_types=[
            pltpu.VMEM((ECB * CH + CH,), jnp.int32),
            pltpu.VMEM((ECB * CH + CH,), jnp.int32),
            [pltpu.VMEM((GR, H), jnp.float32)] * NBUF,
            pltpu.VMEM_SHARED((N, H), jnp.float32),
            pltpu.VMEM_SHARED((N, H), jnp.float32),
            [pltpu.SemaphoreType.DMA] * NBUF,
            [pltpu.SemaphoreType.DMA] * NBUF,
        ],
    )
    def scatter_k(ei_hbm, y_hbm, out_hbm,
                  src_v, dst_v, rows, aggr, y_spm, gsem, ssem):
        c = lax.axis_index("c")
        s = lax.axis_index("s")
        wid = s * NC + c

        epb = ECB * CH
        base = wid * epb
        pltpu.sync_copy(ei_hbm.at[0, pl.ds(base, epb)], src_v.at[pl.ds(0, epb)])
        pltpu.sync_copy(ei_hbm.at[1, pl.ds(base, epb)], dst_v.at[pl.ds(0, epb)])

        @pl.when(wid >= NW - NEXTRA)
        def _extra_idx():
            xb = epb * NW + (wid - (NW - NEXTRA)) * CH
            pltpu.sync_copy(ei_hbm.at[0, pl.ds(xb, CH)],
                            src_v.at[pl.ds(epb, CH)])
            pltpu.sync_copy(ei_hbm.at[1, pl.ds(xb, CH)],
                            dst_v.at[pl.ds(epb, CH)])

        pltpu.sync_copy(y_hbm.at[pl.ds(s * RPS, RPS)],
                        y_spm.at[pl.ds(s * RPS, RPS)])

        z = jnp.zeros((H,), jnp.float32)

        def zb(i, carry):
            rows[0][i, :] = z
            return carry

        lax.fori_loop(0, RPS, zb, 0)
        pltpu.sync_copy(rows[0].at[pl.ds(0, RPS)],
                        aggr.at[pl.ds(s * RPS, RPS)])

        plsc.subcore_barrier()

        @pl.when(wid >= NW - NEXTRA)
        def _extra_chunk():
            pltpu.async_copy(y_spm.at[src_v.at[pl.ds(epb, CH)]],
                             rows[0].at[pl.ds(0, CH)], gsem[0]).wait()
            pltpu.sync_copy(rows[0].at[pl.ds(0, CH)],
                            aggr.at[dst_v.at[pl.ds(epb, CH)]], add=True)

        for b in range(NBUF):
            pltpu.async_copy(y_spm.at[src_v.at[pl.ds(b * GR, GR)]],
                             rows[b], gsem[b])

        def body(i, carry):
            g0 = NBUF * i
            for b in range(NBUF):
                g = g0 + b
                pltpu.make_async_copy(
                    y_spm.at[src_v.at[pl.ds(g * GR, GR)]],
                    rows[b], gsem[b]).wait()
                pltpu.async_copy(rows[b],
                                 aggr.at[dst_v.at[pl.ds(g * GR, GR)]],
                                 ssem[b], add=True)
            for b in range(NBUF):
                g = g0 + b
                pltpu.make_async_copy(
                    rows[b], aggr.at[dst_v.at[pl.ds(g * GR, GR)]],
                    ssem[b]).wait()

                @pl.when(g + NBUF < NGM)
                def _fire_next():
                    pltpu.async_copy(
                        y_spm.at[src_v.at[pl.ds((g + NBUF) * GR, GR)]],
                        rows[b], gsem[b])
            return carry

        lax.fori_loop(0, NGM // NBUF, body, 0)

        for g in range(NGM, NG):
            pltpu.async_copy(y_spm.at[src_v.at[pl.ds(g * GR, GR)]],
                             rows[0], gsem[0]).wait()
            pltpu.sync_copy(rows[0], aggr.at[dst_v.at[pl.ds(g * GR, GR)]],
                            add=True)

        plsc.subcore_barrier()

        pltpu.sync_copy(aggr.at[pl.ds(s * RPS, RPS)],
                        out_hbm.at[c, pl.ds(s * RPS, RPS)])

    return scatter_k


_scatter_k = _make_scatter()


def kernel(x, edge_index, eps, W1, b1, W2, b2):
    assert x.shape == (N, C) and edge_index.shape == (2, E)

    y = pl.pallas_call(
        _mm1_body,
        out_shape=jax.ShapeDtypeStruct((N, H), jnp.float32),
    )(x, W1)

    partials = _scatter_k(edge_index, y)

    p_flat = partials.reshape(NC, FR, 128)
    scale = (1.0 + eps).reshape(1, 1).astype(jnp.float32)
    b1t = jnp.tile(b1, 128 // H).reshape(1, 128)
    b2t = jnp.tile(b2, 128 // H).reshape(1, 128)
    w2bd = jnp.kron(jnp.eye(128 // H, dtype=jnp.float32), W2)
    o_flat = pl.pallas_call(
        _mlp_body,
        out_shape=jax.ShapeDtypeStruct((FR, 128), jnp.float32),
    )(y.reshape(FR, 128), p_flat, scale, b1t, w2bd, b2t)
    return o_flat.reshape(N, H)

# --- scband reference (transcript-rebuilt; emitter-appended) ---
"""Pipeline reference for scband-sub-complex-incidence-conv-6227702579781 (READ-ONLY COPY).

The authoritative reference and input builder live on the scoring server;
editing this copy changes nothing except your own understanding.
"""

import jax, jax.numpy as jnp
import numpy as np

N, E, C, H = 10000, 320000, 128, 16

def setup_inputs(seed: int = 0) -> dict:
    key = jax.random.key(seed)
    ks = jax.random.split(key, 4)
    x = jax.random.normal(ks[0], (N, C), dtype=jnp.float32)
    edge_index = jax.random.randint(ks[1], (2, E), 0, N, dtype=jnp.int32)
    # GINConv learned eps (train_eps=True, init 0.0)
    eps = jnp.zeros((), dtype=jnp.float32)
    # MLP: Linear(C->H) -> ReLU -> Linear(H->H) -> ReLU (use_batch_norm=False)
    W1 = jax.random.normal(ks[2], (C, H), dtype=jnp.float32) * (1.0 / np.sqrt(C))
    b1 = jnp.zeros((H,), dtype=jnp.float32)
    W2 = jax.random.normal(ks[3], (H, H), dtype=jnp.float32) * (1.0 / np.sqrt(H))
    b2 = jnp.zeros((H,), dtype=jnp.float32)
    return {"x": x, "edge_index": edge_index, "eps": eps, "W1": W1, "b1": b1, "W2": W2, "b2": b2}

def reference(x, edge_index, eps, W1, b1, W2, b2):
    # GINConv: sum-aggregate source features at destination nodes
    src = edge_index[0]
    dst = edge_index[1]
    msgs = jnp.take(x, src, axis=0)          # gather  [E, C]
    aggr = jnp.zeros_like(x).at[dst].add(msgs)  # scatter-add [N, C]
    h = (1.0 + eps) * x + aggr
    # MLP (no batch norm)
    h = jax.nn.relu(h @ W1 + b1)
    h = jax.nn.relu(h @ W2 + b2)
    # add_residual=False, use_second_conv=False -> output is h
    return h

if __name__ == "__main__":
    import jax
    _d = setup_inputs()
    print(jax.jit(kernel)(*tuple(_d.values())))

</pallas_src>

<mosaic_0001>
#map = affine_map<(d0, d1) -> (0, 0)>
#map1 = affine_map<(d0, d1) -> (0, 0, 0)>
module attributes {stable_mosaic.version = 14 : i64} {
  func.func @scatter_k(%arg0: i32, %arg1: i32, %arg2: memref<2x320000xi32, #tpu.memory_space<hbm>>, %arg3: memref<10000x16xf32, #tpu.memory_space<hbm>>, %arg4: memref<2x10000x16xf32, #tpu.memory_space<hbm>>, %arg5: memref<10112xi32, #tpu.memory_space<vmem>>, %arg6: memref<10112xi32, #tpu.memory_space<vmem>>, %arg7: memref<768x16xf32, #tpu.memory_space<vmem>>, %arg8: memref<768x16xf32, #tpu.memory_space<vmem>>, %arg9: memref<768x16xf32, #tpu.memory_space<vmem>>, %arg10: memref<768x16xf32, #tpu.memory_space<vmem>>, %arg11: memref<768x16xf32, #tpu.memory_space<vmem>>, %arg12: memref<768x16xf32, #tpu.memory_space<vmem>>, %arg13: memref<10000x16xf32, #tpu.memory_space<vmem_shared>>, %arg14: memref<10000x16xf32, #tpu.memory_space<vmem_shared>>, %arg15: memref<!tpu.dma_semaphore, #tpu.memory_space<semaphore_mem>>, %arg16: memref<!tpu.dma_semaphore, #tpu.memory_space<semaphore_mem>>, %arg17: memref<!tpu.dma_semaphore, #tpu.memory_space<semaphore_mem>>, %arg18: memref<!tpu.dma_semaphore, #tpu.memory_space<semaphore_mem>>, %arg19: memref<!tpu.dma_semaphore, #tpu.memory_space<semaphore_mem>>, %arg20: memref<!tpu.dma_semaphore, #tpu.memory_space<semaphore_mem>>, %arg21: memref<!tpu.dma_semaphore, #tpu.memory_space<semaphore_mem>>, %arg22: memref<!tpu.dma_semaphore, #tpu.memory_space<semaphore_mem>>, %arg23: memref<!tpu.dma_semaphore, #tpu.memory_space<semaphore_mem>>, %arg24: memref<!tpu.dma_semaphore, #tpu.memory_space<semaphore_mem>>, %arg25: memref<!tpu.dma_semaphore, #tpu.memory_space<semaphore_mem>>, %arg26: memref<!tpu.dma_semaphore, #tpu.memory_space<semaphore_mem>>) attributes {dimension_semantics = [#tpu.dimension_semantics<core_parallel>, #tpu.dimension_semantics<subcore_parallel>], iteration_bounds = array<i64: 2, 16>, scalar_prefetch = 0 : i64, scratch_operands = 22 : i64, tpu.core_type = #tpu.core_type<sc_vector_subcore>, window_params = [{transform_indices = #map}, {transform_indices = #map}, {transform_indices = #map1}]} {
    %mul3A = arith.constant 2 : i32
    %mul3A_0 = arith.muli %arg1, %mul3A : i32
    %add3A = arith.addi %mul3A_0, %arg0 : i32
    %mul3A_1 = arith.constant 9984 : i32
    %mul3A_2 = arith.muli %add3A, %mul3A_1 : i32
    %run_scoped3A = arith.constant 0 : i32
    "tpu.region"() ({
      %run_scoped3A_72 = tpu.sem_alloc : memref<!tpu.dma_semaphore, #tpu.memory_space<semaphore_mem>>
      %dma_start3A_73 = arith.constant 0 : i32
      %dma_start3A_74 = tpu.memref_slice %arg5[%dma_start3A_73] : memref<10112xi32, #tpu.memory_space<vmem>> -> memref<9984xi32, #tpu.memory_space<vmem>>
      %dma_start3A_75 = tpu.memref_slice %arg2[%run_scoped3A, %mul3A_2] : memref<2x320000xi32, #tpu.memory_space<hbm>> -> memref<1x9984xi32, #tpu.memory_space<hbm>>
      %dma_start3A_76 = tpu.memref_squeeze %dma_start3A_75 : memref<1x9984xi32, #tpu.memory_space<hbm>> -> memref<9984xi32, #tpu.memory_space<hbm>>
      %dma_start3A_77 = arith.constant 0 : i32
      %dma_start3A_78 = tpu.memref_slice %arg5[%dma_start3A_77] : memref<10112xi32, #tpu.memory_space<vmem>> -> memref<9984xi32, #tpu.memory_space<vmem>>
      %dma_start3A_79 = tpu.memref_slice %arg2[%run_scoped3A, %mul3A_2] : memref<2x320000xi32, #tpu.memory_space<hbm>> -> memref<1x9984xi32, #tpu.memory_space<hbm>>
      %dma_start3A_80 = tpu.memref_squeeze %dma_start3A_79 : memref<1x9984xi32, #tpu.memory_space<hbm>> -> memref<9984xi32, #tpu.memory_space<hbm>>
      tpu.enqueue_dma source(%dma_start3A_80 : memref<9984xi32, #tpu.memory_space<hbm>>) target(%dma_start3A_78 : memref<9984xi32, #tpu.memory_space<vmem>>) target_semaphore(%run_scoped3A_72 : memref<!tpu.dma_semaphore, #tpu.memory_space<semaphore_mem>>)
      %dma_wait3A_81 = arith.constant 0 : i32
      %dma_wait3A_82 = tpu.memref_slice %arg5[%dma_wait3A_81] : memref<10112xi32, #tpu.memory_space<vmem>> -> memref<9984xi32, #tpu.memory_space<vmem>>
      %dma_wait3A_83 = tpu.memref_slice %arg2[%run_scoped3A, %mul3A_2] : memref<2x320000xi32, #tpu.memory_space<hbm>> -> memref<1x9984xi32, #tpu.memory_space<hbm>>
      %dma_wait3A_84 = tpu.memref_squeeze %dma_wait3A_83 : memref<1x9984xi32, #tpu.memory_space<hbm>> -> memref<9984xi32, #tpu.memory_space<hbm>>
      %dma_wait3A_85 = arith.constant 0 : i32
      %dma_wait3A_86 = tpu.memref_slice %arg5[%dma_wait3A_85] : memref<10112xi32, #tpu.memory_space<vmem>> -> memref<9984xi32, #tpu.memory_space<vmem>>
      %dma_wait3A_87 = tpu.memref_slice %arg2[%run_scoped3A, %mul3A_2] : memref<2x320000xi32, #tpu.memory_space<hbm>> -> memref<1x9984xi32, #tpu.memory_space<hbm>>
      %dma_wait3A_88 = tpu.memref_squeeze %dma_wait3A_87 : memref<1x9984xi32, #tpu.memory_space<hbm>> -> memref<9984xi32, #tpu.memory_space<hbm>>
      tpu.wait_dma2 semaphore(%run_scoped3A_72 : memref<!tpu.dma_semaphore, #tpu.memory_space<semaphore_mem>>) src(%dma_wait3A_88 : memref<9984xi32, #tpu.memory_space<hbm>>) dst(%dma_wait3A_86 : memref<9984xi32, #tpu.memory_space<vmem>>)
      tpu.yield
    }) : () -> ()
    %run_scoped3A_3 = arith.constant 1 : i32
    "tpu.region"() ({
      %run_scoped3A_72 = tpu.sem_alloc : memref<!tpu.dma_semaphore, #tpu.memory_space<semaphore_mem>>
      %dma_start3A_73 = arith.constant 0 : i32
      %dma_start3A_74 = tpu.memref_slice %arg6[%dma_start3A_73] : memref<10112xi32, #tpu.memory_space<vmem>> -> memref<9984xi32, #tpu.memory_space<vmem>>
      %dma_start3A_75 = tpu.memref_slice %arg2[%run_scoped3A_3, %mul3A_2] : memref<2x320000xi32, #tpu.memory_space<hbm>> -> memref<1x9984xi32, #tpu.memory_space<hbm>>
      %dma_start3A_76 = tpu.memref_squeeze %dma_start3A_75 : memref<1x9984xi32, #tpu.memory_space<hbm>> -> memref<9984xi32, #tpu.memory_space<hbm>>
      %dma_start3A_77 = arith.constant 0 : i32
      %dma_start3A_78 = tpu.memref_slice %arg6[%dma_start3A_77] : memref<10112xi32, #tpu.memory_space<vmem>> -> memref<9984xi32, #tpu.memory_space<vmem>>
      %dma_start3A_79 = tpu.memref_slice %arg2[%run_scoped3A_3, %mul3A_2] : memref<2x320000xi32, #tpu.memory_space<hbm>> -> memref<1x9984xi32, #tpu.memory_space<hbm>>
      %dma_start3A_80 = tpu.memref_squeeze %dma_start3A_79 : memref<1x9984xi32, #tpu.memory_space<hbm>> -> memref<9984xi32, #tpu.memory_space<hbm>>
      tpu.enqueue_dma source(%dma_start3A_80 : memref<9984xi32, #tpu.memory_space<hbm>>) target(%dma_start3A_78 : memref<9984xi32, #tpu.memory_space<vmem>>) target_semaphore(%run_scoped3A_72 : memref<!tpu.dma_semaphore, #tpu.memory_space<semaphore_mem>>)
      %dma_wait3A_81 = arith.constant 0 : i32
      %dma_wait3A_82 = tpu.memref_slice %arg6[%dma_wait3A_81] : memref<10112xi32, #tpu.memory_space<vmem>> -> memref<9984xi32, #tpu.memory_space<vmem>>
      %dma_wait3A_83 = tpu.memref_slice %arg2[%run_scoped3A_3, %mul3A_2] : memref<2x320000xi32, #tpu.memory_space<hbm>> -> memref<1x9984xi32, #tpu.memory_space<hbm>>
      %dma_wait3A_84 = tpu.memref_squeeze %dma_wait3A_83 : memref<1x9984xi32, #tpu.memory_space<hbm>> -> memref<9984xi32, #tpu.memory_space<hbm>>
      %dma_wait3A_85 = arith.constant 0 : i32
      %dma_wait3A_86 = tpu.memref_slice %arg6[%dma_wait3A_85] : memref<10112xi32, #tpu.memory_space<vmem>> -> memref<9984xi32, #tpu.memory_space<vmem>>
      %dma_wait3A_87 = tpu.memref_slice %arg2[%run_scoped3A_3, %mul3A_2] : memref<2x320000xi32, #tpu.memory_space<hbm>> -> memref<1x9984xi32, #tpu.memory_space<hbm>>
      %dma_wait3A_88 = tpu.memref_squeeze %dma_wait3A_87 : memref<1x9984xi32, #tpu.memory_space<hbm>> -> memref<9984xi32, #tpu.memory_space<hbm>>
      tpu.wait_dma2 semaphore(%run_scoped3A_72 : memref<!tpu.dma_semaphore, #tpu.memory_space<semaphore_mem>>) src(%dma_wait3A_88 : memref<9984xi32, #tpu.memory_space<hbm>>) dst(%dma_wait3A_86 : memref<9984xi32, #tpu.memory_space<vmem>>)
      tpu.yield
    }) : () -> ()
    %ge3A = arith.constant 28 : i32
    %ge3A_4 = arith.cmpi sge, %add3A, %ge3A : i32
    %convert_element_type3A = arith.extui %ge3A_4 : i1 to i32
    %cond3A = arith.constant 0 : i32
    %cond3A_5 = arith.cmpi ne, %convert_element_type3A, %cond3A : i32
    scf.if %cond3A_5 {
      %sub3A = arith.constant 28 : i32
      %sub3A_72 = arith.subi %add3A, %sub3A : i32
      %mul3A_73 = arith.constant 128 : i32
      %mul3A_74 = arith.muli %sub3A_72, %mul3A_73 : i32
      %add3A_75 = arith.constant 319488 : i32
      %add3A_76 = arith.addi %add3A_75, %mul3A_74 : i32
      %run_scoped3A_77 = arith.constant 0 : i32
      "tpu.region"() ({
        %run_scoped3A_79 = tpu.sem_alloc : memref<!tpu.dma_semaphore, #tpu.memory_space<semaphore_mem>>
        %dma_start3A_80 = arith.constant 9984 : i32
        %dma_start3A_81 = tpu.memref_slice %arg5[%dma_start3A_80] : memref<10112xi32, #tpu.memory_space<vmem>> -> memref<128xi32, #tpu.memory_space<vmem>>
        %dma_start3A_82 = tpu.memref_slice %arg2[%run_scoped3A_77, %add3A_76] : memref<2x320000xi32, #tpu.memory_space<hbm>> -> memref<1x128xi32, #tpu.memory_space<hbm>>
        %dma_start3A_83 = tpu.memref_squeeze %dma_start3A_82 : memref<1x128xi32, #tpu.memory_space<hbm>> -> memref<128xi32, #tpu.memory_space<hbm>>
        %dma_start3A_84 = arith.constant 9984 : i32
        %dma_start3A_85 = tpu.memref_slice %arg5[%dma_start3A_84] : memref<10112xi32, #tpu.memory_space<vmem>> -> memref<128xi32, #tpu.memory_space<vmem>>
        %dma_start3A_86 = tpu.memref_slice %arg2[%run_scoped3A_77, %add3A_76] : memref<2x320000xi32, #tpu.memory_space<hbm>> -> memref<1x128xi32, #tpu.memory_space<hbm>>
        %dma_start3A_87 = tpu.memref_squeeze %dma_start3A_86 : memref<1x128xi32, #tpu.memory_space<hbm>> -> memref<128xi32, #tpu.memory_space<hbm>>
        tpu.enqueue_dma source(%dma_start3A_87 : memref<128xi32, #tpu.memory_space<hbm>>) target(%dma_start3A_85 : memref<128xi32, #tpu.memory_space<vmem>>) target_semaphore(%run_scoped3A_79 : memref<!tpu.dma_semaphore, #tpu.memory_space<semaphore_mem>>)
        %dma_wait3A_88 = arith.constant 9984 : i32
        %dma_wait3A_89 = tpu.memref_slice %arg5[%dma_wait3A_88] : memref<10112xi32, #tpu.memory_space<vmem>> -> memref<128xi32, #tpu.memory_space<vmem>>
        %dma_wait3A_90 = tpu.memref_slice %arg2[%run_scoped3A_77, %add3A_76] : memref<2x320000xi32, #tpu.memory_space<hbm>> -> memref<1x128xi32, #tpu.memory_space<hbm>>
        %dma_wait3A_91 = tpu.memref_squeeze %dma_wait3A_90 : memref<1x128xi32, #tpu.memory_space<hbm>> -> memref<128xi32, #tpu.memory_space<hbm>>
        %dma_wait3A_92 = arith.constant 9984 : i32
        %dma_wait3A_93 = tpu.memref_slice %arg5[%dma_wait3A_92] : memref<10112xi32, #tpu.memory_space<vmem>> -> memref<128xi32, #tpu.memory_space<vmem>>
        %dma_wait3A_94 = tpu.memref_slice %arg2[%run_scoped3A_77, %add3A_76] : memref<2x320000xi32, #tpu.memory_space<hbm>> -> memref<1x128xi32, #tpu.memory_space<hbm>>
        %dma_wait3A_95 = tpu.memref_squeeze %dma_wait3A_94 : memref<1x128xi32, #tpu.memory_space<hbm>> -> memref<128xi32, #tpu.memory_space<hbm>>
        tpu.wait_dma2 semaphore(%run_scoped3A_79 : memref<!tpu.dma_semaphore, #tpu.memory_space<semaphore_mem>>) src(%dma_wait3A_95 : memref<128xi32, #tpu.memory_space<hbm>>) dst(%dma_wait3A_93 : memref<128xi32, #tpu.memory_space<vmem>>)
        tpu.yield
      }) : () -> ()
      %run_scoped3A_78 = arith.constant 1 : i32
      "tpu.region"() ({
        %run_scoped3A_79 = tpu.sem_alloc : memref<!tpu.dma_semaphore, #tpu.memory_space<semaphore_mem>>
        %dma_start3A_80 = arith.constant 9984 : i32
        %dma_start3A_81 = tpu.memref_slice %arg6[%dma_start3A_80] : memref<10112xi32, #tpu.memory_space<vmem>> -> memref<128xi32, #tpu.memory_space<vmem>>
        %dma_start3A_82 = tpu.memref_slice %arg2[%run_scoped3A_78, %add3A_76] : memref<2x320000xi32, #tpu.memory_space<hbm>> -> memref<1x128xi32, #tpu.memory_space<hbm>>
        %dma_start3A_83 = tpu.memref_squeeze %dma_start3A_82 : memref<1x128xi32, #tpu.memory_space<hbm>> -> memref<128xi32, #tpu.memory_space<hbm>>
        %dma_start3A_84 = arith.constant 9984 : i32
        %dma_start3A_85 = tpu.memref_slice %arg6[%dma_start3A_84] : memref<10112xi32, #tpu.memory_space<vmem>> -> memref<128xi32, #tpu.memory_space<vmem>>
        %dma_start3A_86 = tpu.memref_slice %arg2[%run_scoped3A_78, %add3A_76] : memref<2x320000xi32, #tpu.memory_space<hbm>> -> memref<1x128xi32, #tpu.memory_space<hbm>>
        %dma_start3A_87 = tpu.memref_squeeze %dma_start3A_86 : memref<1x128xi32, #tpu.memory_space<hbm>> -> memref<128xi32, #tpu.memory_space<hbm>>
        tpu.enqueue_dma source(%dma_start3A_87 : memref<128xi32, #tpu.memory_space<hbm>>) target(%dma_start3A_85 : memref<128xi32, #tpu.memory_space<vmem>>) target_semaphore(%run_scoped3A_79 : memref<!tpu.dma_semaphore, #tpu.memory_space<semaphore_mem>>)
        %dma_wait3A_88 = arith.constant 9984 : i32
        %dma_wait3A_89 = tpu.memref_slice %arg6[%dma_wait3A_88] : memref<10112xi32, #tpu.memory_space<vmem>> -> memref<128xi32, #tpu.memory_space<vmem>>
        %dma_wait3A_90 = tpu.memref_slice %arg2[%run_scoped3A_78, %add3A_76] : memref<2x320000xi32, #tpu.memory_space<hbm>> -> memref<1x128xi32, #tpu.memory_space<hbm>>
        %dma_wait3A_91 = tpu.memref_squeeze %dma_wait3A_90 : memref<1x128xi32, #tpu.memory_space<hbm>> -> memref<128xi32, #tpu.memory_space<hbm>>
        %dma_wait3A_92 = arith.constant 9984 : i32
        %dma_wait3A_93 = tpu.memref_slice %arg6[%dma_wait3A_92] : memref<10112xi32, #tpu.memory_space<vmem>> -> memref<128xi32, #tpu.memory_space<vmem>>
        %dma_wait3A_94 = tpu.memref_slice %arg2[%run_scoped3A_78, %add3A_76] : memref<2x320000xi32, #tpu.memory_space<hbm>> -> memref<1x128xi32, #tpu.memory_space<hbm>>
        %dma_wait3A_95 = tpu.memref_squeeze %dma_wait3A_94 : memref<1x128xi32, #tpu.memory_space<hbm>> -> memref<128xi32, #tpu.memory_space<hbm>>
        tpu.wait_dma2 semaphore(%run_scoped3A_79 : memref<!tpu.dma_semaphore, #tpu.memory_space<semaphore_mem>>) src(%dma_wait3A_95 : memref<128xi32, #tpu.memory_space<hbm>>) dst(%dma_wait3A_93 : memref<128xi32, #tpu.memory_space<vmem>>)
        tpu.yield
      }) : () -> ()
    } else {
    }
    %mul3A_6 = arith.constant 625 : i32
    %mul3A_7 = arith.muli %arg1, %mul3A_6 : i32
    %mul3A_8 = arith.constant 625 : i32
    %mul3A_9 = arith.muli %arg1, %mul3A_8 : i32
    "tpu.region"() ({
      %run_scoped3A_72 = tpu.sem_alloc : memref<!tpu.dma_semaphore, #tpu.memory_space<semaphore_mem>>
      %dma_start3A_73 = arith.constant 0 : i32
      %dma_start3A_74 = tpu.memref_slice %arg14[%mul3A_9, %dma_start3A_73] : memref<10000x16xf32, #tpu.memory_space<vmem_shared>> -> memref<625x16xf32, #tpu.memory_space<vmem_shared>>
      %dma_start3A_75 = arith.constant 0 : i32
      %dma_start3A_76 = tpu.memref_slice %arg3[%mul3A_7, %dma_start3A_75] : memref<10000x16xf32, #tpu.memory_space<hbm>> -> memref<625x16xf32, #tpu.memory_space<hbm>>
      tpu.enqueue_dma source(%dma_start3A_76 : memref<625x16xf32, #tpu.memory_space<hbm>>) target(%dma_start3A_74 : memref<625x16xf32, #tpu.memory_space<vmem_shared>>) target_semaphore(%run_scoped3A_72 : memref<!tpu.dma_semaphore, #tpu.memory_space<semaphore_mem>>)
      %dma_wait3A_77 = arith.constant 0 : i32
      %dma_wait3A_78 = tpu.memref_slice %arg14[%mul3A_9, %dma_wait3A_77] : memref<10000x16xf32, #tpu.memory_space<vmem_shared>> -> memref<625x16xf32, #tpu.memory_space<vmem_shared>>
      %dma_wait3A_79 = arith.constant 0 : i32
      %dma_wait3A_80 = tpu.memref_slice %arg3[%mul3A_7, %dma_wait3A_79] : memref<10000x16xf32, #tpu.memory_space<hbm>> -> memref<625x16xf32, #tpu.memory_space<hbm>>
      tpu.wait_dma2 semaphore(%run_scoped3A_72 : memref<!tpu.dma_semaphore, #tpu.memory_space<semaphore_mem>>) src(%dma_wait3A_80 : memref<625x16xf32, #tpu.memory_space<hbm>>) dst(%dma_wait3A_78 : memref<625x16xf32, #tpu.memory_space<vmem_shared>>)
      tpu.yield
    }) : () -> ()
    %broadcast_in_dim3A = arith.constant 0.000000e+00 : f32
    %broadcast_in_dim3A_10 = vector.broadcast %broadcast_in_dim3A : f32 to vector<16xf32>
    %scan3A = arith.constant 0 : i32
    %scan3A_11 = arith.constant 0 : i32
    %scan3A_12 = arith.constant 625 : i32
    %scan3A_13 = arith.addi %scan3A_11, %scan3A_12 : i32
    %scan3A_14 = arith.constant 1 : i32
    scf.for %scan3A_72 = %scan3A_11 to %scan3A_13 step %scan3A_14  : i32 {
      %swap3A = arith.index_cast %scan3A_72 : i32 to index
      %swap3A_73 = arith.constant 0 : index
      %swap3A_74 = tpu.vector_load %arg7[%swap3A, %swap3A_73] {strides = array<i32>} : memref<768x16xf32, #tpu.memory_space<vmem>>, vector<1x16xf32>,
      %swap3A_75 = vector.shape_cast %swap3A_74 : vector<1x16xf32> to vector<16xf32>
      %swap3A_76 = vector.shape_cast %broadcast_in_dim3A_10 : vector<16xf32> to vector<1x16xf32>
      tpu.vector_store %arg7[%swap3A, %swap3A_73], %swap3A_76 {strides = array<i32>} : memref<768x16xf32, #tpu.memory_space<vmem>>, vector<1x16xf32>,
    }
    %scan3A_15 = arith.constant 625 : i32
    %mul3A_16 = arith.constant 625 : i32
    %mul3A_17 = arith.muli %arg1, %mul3A_16 : i32
    "tpu.region"() ({
      %run_scoped3A_72 = tpu.sem_alloc : memref<!tpu.dma_semaphore, #tpu.memory_space<semaphore_mem>>
      %dma_start3A_73 = arith.constant 0 : i32
      %dma_start3A_74 = arith.constant 0 : i32
      %dma_start3A_75 = tpu.memref_slice %arg7[%dma_start3A_73, %dma_start3A_74] : memref<768x16xf32, #tpu.memory_space<vmem>> -> memref<625x16xf32, #tpu.memory_space<vmem>>
      %dma_start3A_76 = arith.constant 0 : i32
      %dma_start3A_77 = tpu.memref_slice %arg13[%mul3A_17, %dma_start3A_76] : memref<10000x16xf32, #tpu.memory_space<vmem_shared>> -> memref<625x16xf32, #tpu.memory_space<vmem_shared>>
      %dma_start3A_78 = arith.constant 0 : i32
      %dma_start3A_79 = tpu.memref_slice %arg13[%mul3A_17, %dma_start3A_78] : memref<10000x16xf32, #tpu.memory_space<vmem_shared>> -> memref<625x16xf32, #tpu.memory_space<vmem_shared>>
      %dma_start3A_80 = arith.constant 0 : i32
      %dma_start3A_81 = arith.constant 0 : i32
      %dma_start3A_82 = tpu.memref_slice %arg7[%dma_start3A_80, %dma_start3A_81] : memref<768x16xf32, #tpu.memory_space<vmem>> -> memref<625x16xf32, #tpu.memory_space<vmem>>
      tpu.enqueue_dma source(%dma_start3A_82 : memref<625x16xf32, #tpu.memory_space<vmem>>) target(%dma_start3A_79 : memref<625x16xf32, #tpu.memory_space<vmem_shared>>) target_semaphore(%run_scoped3A_72 : memref<!tpu.dma_semaphore, #tpu.memory_space<semaphore_mem>>)
      %dma_wait3A_83 = arith.constant 0 : i32
      %dma_wait3A_84 = arith.constant 0 : i32
      %dma_wait3A_85 = tpu.memref_slice %arg7[%dma_wait3A_83, %dma_wait3A_84] : memref<768x16xf32, #tpu.memory_space<vmem>> -> memref<625x16xf32, #tpu.memory_space<vmem>>
      %dma_wait3A_86 = arith.constant 0 : i32
      %dma_wait3A_87 = tpu.memref_slice %arg13[%mul3A_17, %dma_wait3A_86] : memref<10000x16xf32, #tpu.memory_space<vmem_shared>> -> memref<625x16xf32, #tpu.memory_space<vmem_shared>>
      %dma_wait3A_88 = arith.constant 0 : i32
      %dma_wait3A_89 = tpu.memref_slice %arg13[%mul3A_17, %dma_wait3A_88] : memref<10000x16xf32, #tpu.memory_space<vmem_shared>> -> memref<625x16xf32, #tpu.memory_space<vmem_shared>>
      %dma_wait3A_90 = arith.constant 0 : i32
      %dma_wait3A_91 = arith.constant 0 : i32
      %dma_wait3A_92 = tpu.memref_slice %arg7[%dma_wait3A_90, %dma_wait3A_91] : memref<768x16xf32, #tpu.memory_space<vmem>> -> memref<625x16xf32, #tpu.memory_space<vmem>>
      tpu.wait_dma2 semaphore(%run_scoped3A_72 : memref<!tpu.dma_semaphore, #tpu.memory_space<semaphore_mem>>) src(%dma_wait3A_92 : memref<625x16xf32, #tpu.memory_space<vmem>>) dst(%dma_wait3A_89 : memref<625x16xf32, #tpu.memory_space<vmem_shared>>)
      tpu.yield
    }) : () -> ()
    %barrier3A = arith.constant 0 : index
    tpu.barrier barrier_id(%barrier3A)
    %ge3A_18 = arith.constant 28 : i32
    %ge3A_19 = arith.cmpi sge, %add3A, %ge3A_18 : i32
    %convert_element_type3A_20 = arith.extui %ge3A_19 : i1 to i32
    %cond3A_21 = arith.constant 0 : i32
    %cond3A_22 = arith.cmpi ne, %convert_element_type3A_20, %cond3A_21 : i32
    scf.if %cond3A_22 {
      %dma_start3A_72 = arith.constant 0 : i32
      %dma_start3A_73 = arith.constant 0 : i32
      %dma_start3A_74 = tpu.memref_slice %arg7[%dma_start3A_72, %dma_start3A_73] : memref<768x16xf32, #tpu.memory_space<vmem>> -> memref<128x16xf32, #tpu.memory_space<vmem>>
      %dma_start3A_75 = arith.constant 9984 : i32
      %dma_start3A_76 = tpu.memref_slice %arg5[%dma_start3A_75] : memref<10112xi32, #tpu.memory_space<vmem>> -> memref<128xi32, #tpu.memory_space<vmem>>
      %dma_start3A_77 = arith.constant 0 : i32
      %dma_start3A_78 = arith.constant 0 : i32
      %dma_start3A_79 = tpu.memref_slice %arg14[%dma_start3A_77, %dma_start3A_78] : memref<10000x16xf32, #tpu.memory_space<vmem_shared>> -> memref<10000x16xf32, #tpu.memory_space<vmem_shared>>
      tpu.enqueue_indirect_dma source(%dma_start3A_79 : memref<10000x16xf32, #tpu.memory_space<vmem_shared>>) target(%dma_start3A_74 : memref<128x16xf32, #tpu.memory_space<vmem>>) offsets(%dma_start3A_76 : memref<128xi32, #tpu.memory_space<vmem>>) semaphore(%arg15 : memref<!tpu.dma_semaphore, #tpu.memory_space<semaphore_mem>>)
      %dma_wait3A_80 = arith.constant 0 : i32
      %dma_wait3A_81 = arith.constant 0 : i32
      %dma_wait3A_82 = tpu.memref_slice %arg7[%dma_wait3A_80, %dma_wait3A_81] : memref<768x16xf32, #tpu.memory_space<vmem>> -> memref<128x16xf32, #tpu.memory_space<vmem>>
      %dma_wait3A_83 = arith.constant 9984 : i32
      %dma_wait3A_84 = tpu.memref_slice %arg5[%dma_wait3A_83] : memref<10112xi32, #tpu.memory_space<vmem>> -> memref<128xi32, #tpu.memory_space<vmem>>
      %dma_wait3A_85 = arith.constant 0 : i32
      %dma_wait3A_86 = arith.constant 0 : i32
      %dma_wait3A_87 = tpu.memref_slice %arg14[%dma_wait3A_85, %dma_wait3A_86] : memref<10000x16xf32, #tpu.memory_space<vmem_shared>> -> memref<10000x16xf32, #tpu.memory_space<vmem_shared>>
      tpu.wait_indirect_dma semaphore(%arg15 : memref<!tpu.dma_semaphore, #tpu.memory_space<semaphore_mem>>) src(%dma_wait3A_87 : memref<10000x16xf32, #tpu.memory_space<vmem_shared>>) dst(%dma_wait3A_82 : memref<128x16xf32, #tpu.memory_space<vmem>>)
      "tpu.region"() ({
        %run_scoped3A_88 = tpu.sem_alloc : memref<!tpu.dma_semaphore, #tpu.memory_space<semaphore_mem>>
        %dma_start3A_89 = arith.constant 0 : i32
        %dma_start3A_90 = arith.constant 0 : i32
        %dma_start3A_91 = tpu.memref_slice %arg7[%dma_start3A_89, %dma_start3A_90] : memref<768x16xf32, #tpu.memory_space<vmem>> -> memref<128x16xf32, #tpu.memory_space<vmem>>
        %dma_start3A_92 = arith.constant 9984 : i32
        %dma_start3A_93 = tpu.memref_slice %arg6[%dma_start3A_92] : memref<10112xi32, #tpu.memory_space<vmem>> -> memref<128xi32, #tpu.memory_space<vmem>>
        %dma_start3A_94 = arith.constant 0 : i32
        %dma_start3A_95 = arith.constant 0 : i32
        %dma_start3A_96 = tpu.memref_slice %arg13[%dma_start3A_94, %dma_start3A_95] : memref<10000x16xf32, #tpu.memory_space<vmem_shared>> -> memref<10000x16xf32, #tpu.memory_space<vmem_shared>>
        tpu.enqueue_indirect_dma source(%dma_start3A_91 : memref<128x16xf32, #tpu.memory_space<vmem>>) target(%dma_start3A_96 : memref<10000x16xf32, #tpu.memory_space<vmem_shared>>) offsets(%dma_start3A_93 : memref<128xi32, #tpu.memory_space<vmem>>) semaphore(%run_scoped3A_88 : memref<!tpu.dma_semaphore, #tpu.memory_space<semaphore_mem>>) {add = true}
        %dma_wait3A_97 = arith.constant 0 : i32
        %dma_wait3A_98 = arith.constant 0 : i32
        %dma_wait3A_99 = tpu.memref_slice %arg7[%dma_wait3A_97, %dma_wait3A_98] : memref<768x16xf32, #tpu.memory_space<vmem>> -> memref<128x16xf32, #tpu.memory_space<vmem>>
        %dma_wait3A_100 = arith.constant 9984 : i32
        %dma_wait3A_101 = tpu.memref_slice %arg6[%dma_wait3A_100] : memref<10112xi32, #tpu.memory_space<vmem>> -> memref<128xi32, #tpu.memory_space<vmem>>
        %dma_wait3A_102 = arith.constant 0 : i32
        %dma_wait3A_103 = arith.constant 0 : i32
        %dma_wait3A_104 = tpu.memref_slice %arg13[%dma_wait3A_102, %dma_wait3A_103] : memref<10000x16xf32, #tpu.memory_space<vmem_shared>> -> memref<10000x16xf32, #tpu.memory_space<vmem_shared>>
        tpu.wait_indirect_dma semaphore(%run_scoped3A_88 : memref<!tpu.dma_semaphore, #tpu.memory_space<semaphore_mem>>) src(%dma_wait3A_99 : memref<128x16xf32, #tpu.memory_space<vmem>>) dst(%dma_wait3A_104 : memref<10000x16xf32, #tpu.memory_space<vmem_shared>>)
        tpu.yield
      }) : () -> ()
    } else {
    }
    %dma_start3A = arith.constant 0 : i32
    %dma_start3A_23 = tpu.memref_slice %arg5[%dma_start3A] : memref<10112xi32, #tpu.memory_space<vmem>> -> memref<768xi32, #tpu.memory_space<vmem>>
    %dma_start3A_24 = arith.constant 0 : i32
    %dma_start3A_25 = arith.constant 0 : i32
    %dma_start3A_26 = tpu.memref_slice %arg14[%dma_start3A_24, %dma_start3A_25] : memref<10000x16xf32, #tpu.memory_space<vmem_shared>> -> memref<10000x16xf32, #tpu.memory_space<vmem_shared>>
    tpu.enqueue_indirect_dma source(%dma_start3A_26 : memref<10000x16xf32, #tpu.memory_space<vmem_shared>>) target(%arg7 : memref<768x16xf32, #tpu.memory_space<vmem>>) offsets(%dma_start3A_23 : memref<768xi32, #tpu.memory_space<vmem>>) semaphore(%arg15 : memref<!tpu.dma_semaphore, #tpu.memory_space<semaphore_mem>>)
    %dma_start3A_27 = arith.constant 768 : i32
    %dma_start3A_28 = tpu.memref_slice %arg5[%dma_start3A_27] : memref<10112xi32, #tpu.memory_space<vmem>> -> memref<768xi32, #tpu.memory_space<vmem>>
    %dma_start3A_29 = arith.constant 0 : i32
    %dma_start3A_30 = arith.constant 0 : i32
    %dma_start3A_31 = tpu.memref_slice %arg14[%dma_start3A_29, %dma_start3A_30] : memref<10000x16xf32, #tpu.memory_space<vmem_shared>> -> memref<10000x16xf32, #tpu.memory_space<vmem_shared>>
    tpu.enqueue_indirect_dma source(%dma_start3A_31 : memref<10000x16xf32, #tpu.memory_space<vmem_shared>>) target(%arg8 : memref<768x16xf32, #tpu.memory_space<vmem>>) offsets(%dma_start3A_28 : memref<768xi32, #tpu.memory_space<vmem>>) semaphore(%arg16 : memref<!tpu.dma_semaphore, #tpu.memory_space<semaphore_mem>>)
    %dma_start3A_32 = arith.constant 1536 : i32
    %dma_start3A_33 = tpu.memref_slice %arg5[%dma_start3A_32] : memref<10112xi32, #tpu.memory_space<vmem>> -> memref<768xi32, #tpu.memory_space<vmem>>
    %dma_start3A_34 = arith.constant 0 : i32
    %dma_start3A_35 = arith.constant 0 : i32
    %dma_start3A_36 = tpu.memref_slice %arg14[%dma_start3A_34, %dma_start3A_35] : memref<10000x16xf32, #tpu.memory_space<vmem_shared>> -> memref<10000x16xf32, #tpu.memory_space<vmem_shared>>
    tpu.enqueue_indirect_dma source(%dma_start3A_36 : memref<10000x16xf32, #tpu.memory_space<vmem_shared>>) target(%arg9 : memref<768x16xf32, #tpu.memory_space<vmem>>) offsets(%dma_start3A_33 : memref<768xi32, #tpu.memory_space<vmem>>) semaphore(%arg17 : memref<!tpu.dma_semaphore, #tpu.memory_space<semaphore_mem>>)
    %dma_start3A_37 = arith.constant 2304 : i32
    %dma_start3A_38 = tpu.memref_slice %arg5[%dma_start3A_37] : memref<10112xi32, #tpu.memory_space<vmem>> -> memref<768xi32, #tpu.memory_space<vmem>>
    %dma_start3A_39 = arith.constant 0 : i32
    %dma_start3A_40 = arith.constant 0 : i32
    %dma_start3A_41 = tpu.memref_slice %arg14[%dma_start3A_39, %dma_start3A_40] : memref<10000x16xf32, #tpu.memory_space<vmem_shared>> -> memref<10000x16xf32, #tpu.memory_space<vmem_shared>>
    tpu.enqueue_indirect_dma source(%dma_start3A_41 : memref<10000x16xf32, #tpu.memory_space<vmem_shared>>) target(%arg10 : memref<768x16xf32, #tpu.memory_space<vmem>>) offsets(%dma_start3A_38 : memref<768xi32, #tpu.memory_space<vmem>>) semaphore(%arg18 : memref<!tpu.dma_semaphore, #tpu.memory_space<semaphore_mem>>)
    %dma_start3A_42 = arith.constant 3072 : i32
    %dma_start3A_43 = tpu.memref_slice %arg5[%dma_start3A_42] : memref<10112xi32, #tpu.memory_space<vmem>> -> memref<768xi32, #tpu.memory_space<vmem>>
    %dma_start3A_44 = arith.constant 0 : i32
    %dma_start3A_45 = arith.constant 0 : i32
    %dma_start3A_46 = tpu.memref_slice %arg14[%dma_start3A_44, %dma_start3A_45] : memref<10000x16xf32, #tpu.memory_space<vmem_shared>> -> memref<10000x16xf32, #tpu.memory_space<vmem_shared>>
    tpu.enqueue_indirect_dma source(%dma_start3A_46 : memref<10000x16xf32, #tpu.memory_space<vmem_shared>>) target(%arg11 : memref<768x16xf32, #tpu.memory_space<vmem>>) offsets(%dma_start3A_43 : memref<768xi32, #tpu.memory_space<vmem>>) semaphore(%arg19 : memref<!tpu.dma_semaphore, #tpu.memory_space<semaphore_mem>>)
    %dma_start3A_47 = arith.constant 3840 : i32
    %dma_start3A_48 = tpu.memref_slice %arg5[%dma_start3A_47] : memref<10112xi32, #tpu.memory_space<vmem>> -> memref<768xi32, #tpu.memory_space<vmem>>
    %dma_start3A_49 = arith.constant 0 : i32
    %dma_start3A_50 = arith.constant 0 : i32
    %dma_start3A_51 = tpu.memref_slice %arg14[%dma_start3A_49, %dma_start3A_50] : memref<10000x16xf32, #tpu.memory_space<vmem_shared>> -> memref<10000x16xf32, #tpu.memory_space<vmem_shared>>
    tpu.enqueue_indirect_dma source(%dma_start3A_51 : memref<10000x16xf32, #tpu.memory_space<vmem_shared>>) target(%arg12 : memref<768x16xf32, #tpu.memory_space<vmem>>) offsets(%dma_start3A_48 : memref<768xi32, #tpu.memory_space<vmem>>) semaphore(%arg20 : memref<!tpu.dma_semaphore, #tpu.memory_space<semaphore_mem>>)
    %scan3A_52 = arith.constant 0 : i32
    %scan3A_53 = arith.constant 0 : i32
    %scan3A_54 = arith.constant 2 : i32
    %scan3A_55 = arith.addi %scan3A_53, %scan3A_54 : i32
    %scan3A_56 = arith.constant 1 : i32
    scf.for %scan3A_72 = %scan3A_53 to %scan3A_55 step %scan3A_56  : i32 {
      %mul3A_73 = arith.constant 6 : i32
      %mul3A_74 = arith.muli %mul3A_73, %scan3A_72 : i32
      %add3A_75 = arith.constant 0 : i32
      %add3A_76 = arith.addi %mul3A_74, %add3A_75 : i32
      %mul3A_77 = arith.constant 768 : i32
      %mul3A_78 = arith.muli %add3A_76, %mul3A_77 : i32
      %dma_wait3A_79 = tpu.memref_slice %arg5[%mul3A_78] : memref<10112xi32, #tpu.memory_space<vmem>> -> memref<768xi32, #tpu.memory_space<vmem>>
      %dma_wait3A_80 = arith.constant 0 : i32
      %dma_wait3A_81 = arith.constant 0 : i32
      %dma_wait3A_82 = tpu.memref_slice %arg14[%dma_wait3A_80, %dma_wait3A_81] : memref<10000x16xf32, #tpu.memory_space<vmem_shared>> -> memref<10000x16xf32, #tpu.memory_space<vmem_shared>>
      tpu.wait_indirect_dma semaphore(%arg15 : memref<!tpu.dma_semaphore, #tpu.memory_space<semaphore_mem>>) src(%dma_wait3A_82 : memref<10000x16xf32, #tpu.memory_space<vmem_shared>>) dst(%arg7 : memref<768x16xf32, #tpu.memory_space<vmem>>)
      %mul3A_83 = arith.constant 768 : i32
      %mul3A_84 = arith.muli %add3A_76, %mul3A_83 : i32
      %dma_start3A_85 = tpu.memref_slice %arg6[%mul3A_84] : memref<10112xi32, #tpu.memory_space<vmem>> -> memref<768xi32, #tpu.memory_space<vmem>>
      %dma_start3A_86 = arith.constant 0 : i32
      %dma_start3A_87 = arith.constant 0 : i32
      %dma_start3A_88 = tpu.memref_slice %arg13[%dma_start3A_86, %dma_start3A_87] : memref<10000x16xf32, #tpu.memory_space<vmem_shared>> -> memref<10000x16xf32, #tpu.memory_space<vmem_shared>>
      tpu.enqueue_indirect_dma source(%arg7 : memref<768x16xf32, #tpu.memory_space<vmem>>) target(%dma_start3A_88 : memref<10000x16xf32, #tpu.memory_space<vmem_shared>>) offsets(%dma_start3A_85 : memref<768xi32, #tpu.memory_space<vmem>>) semaphore(%arg21 : memref<!tpu.dma_semaphore, #tpu.memory_space<semaphore_mem>>) {add = true}
      %add3A_89 = arith.constant 1 : i32
      %add3A_90 = arith.addi %mul3A_74, %add3A_89 : i32
      %mul3A_91 = arith.constant 768 : i32
      %mul3A_92 = arith.muli %add3A_90, %mul3A_91 : i32
      %dma_wait3A_93 = tpu.memref_slice %arg5[%mul3A_92] : memref<10112xi32, #tpu.memory_space<vmem>> -> memref<768xi32, #tpu.memory_space<vmem>>
      %dma_wait3A_94 = arith.constant 0 : i32
      %dma_wait3A_95 = arith.constant 0 : i32
      %dma_wait3A_96 = tpu.memref_slice %arg14[%dma_wait3A_94, %dma_wait3A_95] : memref<10000x16xf32, #tpu.memory_space<vmem_shared>> -> memref<10000x16xf32, #tpu.memory_space<vmem_shared>>
      tpu.wait_indirect_dma semaphore(%arg16 : memref<!tpu.dma_semaphore, #tpu.memory_space<semaphore_mem>>) src(%dma_wait3A_96 : memref<10000x16xf32, #tpu.memory_space<vmem_shared>>) dst(%arg8 : memref<768x16xf32, #tpu.memory_space<vmem>>)
      %mul3A_97 = arith.constant 768 : i32
      %mul3A_98 = arith.muli %add3A_90, %mul3A_97 : i32
      %dma_start3A_99 = tpu.memref_slice %arg6[%mul3A_98] : memref<10112xi32, #tpu.memory_space<vmem>> -> memref<768xi32, #tpu.memory_space<vmem>>
      %dma_start3A_100 = arith.constant 0 : i32
      %dma_start3A_101 = arith.constant 0 : i32
      %dma_start3A_102 = tpu.memref_slice %arg13[%dma_start3A_100, %dma_start3A_101] : memref<10000x16xf32, #tpu.memory_space<vmem_shared>> -> memref<10000x16xf32, #tpu.memory_space<vmem_shared>>
      tpu.enqueue_indirect_dma source(%arg8 : memref<768x16xf32, #tpu.memory_space<vmem>>) target(%dma_start3A_102 : memref<10000x16xf32, #tpu.memory_space<vmem_shared>>) offsets(%dma_start3A_99 : memref<768xi32, #tpu.memory_space<vmem>>) semaphore(%arg22 : memref<!tpu.dma_semaphore, #tpu.memory_space<semaphore_mem>>) {add = true}
      %add3A_103 = arith.constant 2 : i32
      %add3A_104 = arith.addi %mul3A_74, %add3A_103 : i32
      %mul3A_105 = arith.constant 768 : i32
      %mul3A_106 = arith.muli %add3A_104, %mul3A_105 : i32
      %dma_wait3A_107 = tpu.memref_slice %arg5[%mul3A_106] : memref<10112xi32, #tpu.memory_space<vmem>> -> memref<768xi32, #tpu.memory_space<vmem>>
      %dma_wait3A_108 = arith.constant 0 : i32
      %dma_wait3A_109 = arith.constant 0 : i32
      %dma_wait3A_110 = tpu.memref_slice %arg14[%dma_wait3A_108, %dma_wait3A_109] : memref<10000x16xf32, #tpu.memory_space<vmem_shared>> -> memref<10000x16xf32, #tpu.memory_space<vmem_shared>>
      tpu.wait_indirect_dma semaphore(%arg17 : memref<!tpu.dma_semaphore, #tpu.memory_space<semaphore_mem>>) src(%dma_wait3A_110 : memref<10000x16xf32, #tpu.memory_space<vmem_shared>>) dst(%arg9 : memref<768x16xf32, #tpu.memory_space<vmem>>)
      %mul3A_111 = arith.constant 768 : i32
      %mul3A_112 = arith.muli %add3A_104, %mul3A_111 : i32
      %dma_start3A_113 = tpu.memref_slice %arg6[%mul3A_112] : memref<10112xi32, #tpu.memory_space<vmem>> -> memref<768xi32, #tpu.memory_space<vmem>>
      %dma_start3A_114 = arith.constant 0 : i32
      %dma_start3A_115 = arith.constant 0 : i32
      %dma_start3A_116 = tpu.memref_slice %arg13[%dma_start3A_114, %dma_start3A_115] : memref<10000x16xf32, #tpu.memory_space<vmem_shared>> -> memref<10000x16xf32, #tpu.memory_space<vmem_shared>>
      tpu.enqueue_indirect_dma source(%arg9 : memref<768x16xf32, #tpu.memory_space<vmem>>) target(%dma_start3A_116 : memref<10000x16xf32, #tpu.memory_space<vmem_shared>>) offsets(%dma_start3A_113 : memref<768xi32, #tpu.memory_space<vmem>>) semaphore(%arg23 : memref<!tpu.dma_semaphore, #tpu.memory_space<semaphore_mem>>) {add = true}
      %add3A_117 = arith.constant 3 : i32
      %add3A_118 = arith.addi %mul3A_74, %add3A_117 : i32
      %mul3A_119 = arith.constant 768 : i32
      %mul3A_120 = arith.muli %add3A_118, %mul3A_119 : i32
      %dma_wait3A_121 = tpu.memref_slice %arg5[%mul3A_120] : memref<10112xi32, #tpu.memory_space<vmem>> -> memref<768xi32, #tpu.memory_space<vmem>>
      %dma_wait3A_122 = arith.constant 0 : i32
      %dma_wait3A_123 = arith.constant 0 : i32
      %dma_wait3A_124 = tpu.memref_slice %arg14[%dma_wait3A_122, %dma_wait3A_123] : memref<10000x16xf32, #tpu.memory_space<vmem_shared>> -> memref<10000x16xf32, #tpu.memory_space<vmem_shared>>
      tpu.wait_indirect_dma semaphore(%arg18 : memref<!tpu.dma_semaphore, #tpu.memory_space<semaphore_mem>>) src(%dma_wait3A_124 : memref<10000x16xf32, #tpu.memory_space<vmem_shared>>) dst(%arg10 : memref<768x16xf32, #tpu.memory_space<vmem>>)
      %mul3A_125 = arith.constant 768 : i32
      %mul3A_126 = arith.muli %add3A_118, %mul3A_125 : i32
      %dma_start3A_127 = tpu.memref_slice %arg6[%mul3A_126] : memref<10112xi32, #tpu.memory_space<vmem>> -> memref<768xi32, #tpu.memory_space<vmem>>
      %dma_start3A_128 = arith.constant 0 : i32
      %dma_start3A_129 = arith.constant 0 : i32
      %dma_start3A_130 = tpu.memref_slice %arg13[%dma_start3A_128, %dma_start3A_129] : memref<10000x16xf32, #tpu.memory_space<vmem_shared>> -> memref<10000x16xf32, #tpu.memory_space<vmem_shared>>
      tpu.enqueue_indirect_dma source(%arg10 : memref<768x16xf32, #tpu.memory_space<vmem>>) target(%dma_start3A_130 : memref<10000x16xf32, #tpu.memory_space<vmem_shared>>) offsets(%dma_start3A_127 : memref<768xi32, #tpu.memory_space<vmem>>) semaphore(%arg24 : memref<!tpu.dma_semaphore, #tpu.memory_space<semaphore_mem>>) {add = true}
      %add3A_131 = arith.constant 4 : i32
      %add3A_132 = arith.addi %mul3A_74, %add3A_131 : i32
      %mul3A_133 = arith.constant 768 : i32
      %mul3A_134 = arith.muli %add3A_132, %mul3A_133 : i32
      %dma_wait3A_135 = tpu.memref_slice %arg5[%mul3A_134] : memref<10112xi32, #tpu.memory_space<vmem>> -> memref<768xi32, #tpu.memory_space<vmem>>
      %dma_wait3A_136 = arith.constant 0 : i32
      %dma_wait3A_137 = arith.constant 0 : i32
      %dma_wait3A_138 = tpu.memref_slice %arg14[%dma_wait3A_136, %dma_wait3A_137] : memref<10000x16xf32, #tpu.memory_space<vmem_shared>> -> memref<10000x16xf32, #tpu.memory_space<vmem_shared>>
      tpu.wait_indirect_dma semaphore(%arg19 : memref<!tpu.dma_semaphore, #tpu.memory_space<semaphore_mem>>) src(%dma_wait3A_138 : memref<10000x16xf32, #tpu.memory_space<vmem_shared>>) dst(%arg11 : memref<768x16xf32, #tpu.memory_space<vmem>>)
      %mul3A_139 = arith.constant 768 : i32
      %mul3A_140 = arith.muli %add3A_132, %mul3A_139 : i32
      %dma_start3A_141 = tpu.memref_slice %arg6[%mul3A_140] : memref<10112xi32, #tpu.memory_space<vmem>> -> memref<768xi32, #tpu.memory_space<vmem>>
      %dma_start3A_142 = arith.constant 0 : i32
      %dma_start3A_143 = arith.constant 0 : i32
      %dma_start3A_144 = tpu.memref_slice %arg13[%dma_start3A_142, %dma_start3A_143] : memref<10000x16xf32, #tpu.memory_space<vmem_shared>> -> memref<10000x16xf32, #tpu.memory_space<vmem_shared>>
      tpu.enqueue_indirect_dma source(%arg11 : memref<768x16xf32, #tpu.memory_space<vmem>>) target(%dma_start3A_144 : memref<10000x16xf32, #tpu.memory_space<vmem_shared>>) offsets(%dma_start3A_141 : memref<768xi32, #tpu.memory_space<vmem>>) semaphore(%arg25 : memref<!tpu.dma_semaphore, #tpu.memory_space<semaphore_mem>>) {add = true}
      %add3A_145 = arith.constant 5 : i32
      %add3A_146 = arith.addi %mul3A_74, %add3A_145 : i32
      %mul3A_147 = arith.constant 768 : i32
      %mul3A_148 = arith.muli %add3A_146, %mul3A_147 : i32
      %dma_wait3A_149 = tpu.memref_slice %arg5[%mul3A_148] : memref<10112xi32, #tpu.memory_space<vmem>> -> memref<768xi32, #tpu.memory_space<vmem>>
      %dma_wait3A_150 = arith.constant 0 : i32
      %dma_wait3A_151 = arith.constant 0 : i32
      %dma_wait3A_152 = tpu.memref_slice %arg14[%dma_wait3A_150, %dma_wait3A_151] : memref<10000x16xf32, #tpu.memory_space<vmem_shared>> -> memref<10000x16xf32, #tpu.memory_space<vmem_shared>>
      tpu.wait_indirect_dma semaphore(%arg20 : memref<!tpu.dma_semaphore, #tpu.memory_space<semaphore_mem>>) src(%dma_wait3A_152 : memref<10000x16xf32, #tpu.memory_space<vmem_shared>>) dst(%arg12 : memref<768x16xf32, #tpu.memory_space<vmem>>)
      %mul3A_153 = arith.constant 768 : i32
      %mul3A_154 = arith.muli %add3A_146, %mul3A_153 : i32
      %dma_start3A_155 = tpu.memref_slice %arg6[%mul3A_154] : memref<10112xi32, #tpu.memory_space<vmem>> -> memref<768xi32, #tpu.memory_space<vmem>>
      %dma_start3A_156 = arith.constant 0 : i32
      %dma_start3A_157 = arith.constant 0 : i32
      %dma_start3A_158 = tpu.memref_slice %arg13[%dma_start3A_156, %dma_start3A_157] : memref<10000x16xf32, #tpu.memory_space<vmem_shared>> -> memref<10000x16xf32, #tpu.memory_space<vmem_shared>>
      tpu.enqueue_indirect_dma source(%arg12 : memref<768x16xf32, #tpu.memory_space<vmem>>) target(%dma_start3A_158 : memref<10000x16xf32, #tpu.memory_space<vmem_shared>>) offsets(%dma_start3A_155 : memref<768xi32, #tpu.memory_space<vmem>>) semaphore(%arg26 : memref<!tpu.dma_semaphore, #tpu.memory_space<semaphore_mem>>) {add = true}
      %add3A_159 = arith.constant 0 : i32
      %add3A_160 = arith.addi %mul3A_74, %add3A_159 : i32
      %mul3A_161 = arith.constant 768 : i32
      %mul3A_162 = arith.muli %add3A_160, %mul3A_161 : i32
      %dma_wait3A_163 = tpu.memref_slice %arg6[%mul3A_162] : memref<10112xi32, #tpu.memory_space<vmem>> -> memref<768xi32, #tpu.memory_space<vmem>>
      %dma_wait3A_164 = arith.constant 0 : i32
      %dma_wait3A_165 = arith.constant 0 : i32
      %dma_wait3A_166 = tpu.memref_slice %arg13[%dma_wait3A_164, %dma_wait3A_165] : memref<10000x16xf32, #tpu.memory_space<vmem_shared>> -> memref<10000x16xf32, #tpu.memory_space<vmem_shared>>
      tpu.wait_indirect_dma semaphore(%arg21 : memref<!tpu.dma_semaphore, #tpu.memory_space<semaphore_mem>>) src(%arg7 : memref<768x16xf32, #tpu.memory_space<vmem>>) dst(%dma_wait3A_166 : memref<10000x16xf32, #tpu.memory_space<vmem_shared>>)
      %add3A_167 = arith.constant 6 : i32
      %add3A_168 = arith.addi %add3A_160, %add3A_167 : i32
      %lt3A = arith.constant 12 : i32
      %lt3A_169 = arith.cmpi slt, %add3A_168, %lt3A : i32
      %convert_element_type3A_170 = arith.extui %lt3A_169 : i1 to i32
      %cond3A_171 = arith.constant 0 : i32
      %cond3A_172 = arith.cmpi ne, %convert_element_type3A_170, %cond3A_171 : i32
      scf.if %cond3A_172 {
        %add3A_248 = arith.constant 6 : i32
        %add3A_249 = arith.addi %add3A_160, %add3A_248 : i32
        %mul3A_250 = arith.constant 768 : i32
        %mul3A_251 = arith.muli %add3A_249, %mul3A_250 : i32
        %dma_start3A_252 = tpu.memref_slice %arg5[%mul3A_251] : memref<10112xi32, #tpu.memory_space<vmem>> -> memref<768xi32, #tpu.memory_space<vmem>>
        %dma_start3A_253 = arith.constant 0 : i32
        %dma_start3A_254 = arith.constant 0 : i32
        %dma_start3A_255 = tpu.memref_slice %arg14[%dma_start3A_253, %dma_start3A_254] : memref<10000x16xf32, #tpu.memory_space<vmem_shared>> -> memref<10000x16xf32, #tpu.memory_space<vmem_shared>>
        tpu.enqueue_indirect_dma source(%dma_start3A_255 : memref<10000x16xf32, #tpu.memory_space<vmem_shared>>) target(%arg7 : memref<768x16xf32, #tpu.memory_space<vmem>>) offsets(%dma_start3A_252 : memref<768xi32, #tpu.memory_space<vmem>>) semaphore(%arg15 : memref<!tpu.dma_semaphore, #tpu.memory_space<semaphore_mem>>)
      } else {
      }
      %add3A_173 = arith.constant 1 : i32
      %add3A_174 = arith.addi %mul3A_74, %add3A_173 : i32
      %mul3A_175 = arith.constant 768 : i32
      %mul3A_176 = arith.muli %add3A_174, %mul3A_175 : i32
      %dma_wait3A_177 = tpu.memref_slice %arg6[%mul3A_176] : memref<10112xi32, #tpu.memory_space<vmem>> -> memref<768xi32, #tpu.memory_space<vmem>>
      %dma_wait3A_178 = arith.constant 0 : i32
      %dma_wait3A_179 = arith.constant 0 : i32
      %dma_wait3A_180 = tpu.memref_slice %arg13[%dma_wait3A_178, %dma_wait3A_179] : memref<10000x16xf32, #tpu.memory_space<vmem_shared>> -> memref<10000x16xf32, #tpu.memory_space<vmem_shared>>
      tpu.wait_indirect_dma semaphore(%arg22 : memref<!tpu.dma_semaphore, #tpu.memory_space<semaphore_mem>>) src(%arg8 : memref<768x16xf32, #tpu.memory_space<vmem>>) dst(%dma_wait3A_180 : memref<10000x16xf32, #tpu.memory_space<vmem_shared>>)
      %add3A_181 = arith.constant 6 : i32
      %add3A_182 = arith.addi %add3A_174, %add3A_181 : i32
      %lt3A_183 = arith.constant 12 : i32
      %lt3A_184 = arith.cmpi slt, %add3A_182, %lt3A_183 : i32
      %convert_element_type3A_185 = arith.extui %lt3A_184 : i1 to i32
      %cond3A_186 = arith.constant 0 : i32
      %cond3A_187 = arith.cmpi ne, %convert_element_type3A_185, %cond3A_186 : i32
      scf.if %cond3A_187 {
        %add3A_248 = arith.constant 6 : i32
        %add3A_249 = arith.addi %add3A_174, %add3A_248 : i32
        %mul3A_250 = arith.constant 768 : i32
        %mul3A_251 = arith.muli %add3A_249, %mul3A_250 : i32
        %dma_start3A_252 = tpu.memref_slice %arg5[%mul3A_251] : memref<10112xi32, #tpu.memory_space<vmem>> -> memref<768xi32, #tpu.memory_space<vmem>>
        %dma_start3A_253 = arith.constant 0 : i32
        %dma_start3A_254 = arith.constant 0 : i32
        %dma_start3A_255 = tpu.memref_slice %arg14[%dma_start3A_253, %dma_start3A_254] : memref<10000x16xf32, #tpu.memory_space<vmem_shared>> -> memref<10000x16xf32, #tpu.memory_space<vmem_shared>>
        tpu.enqueue_indirect_dma source(%dma_start3A_255 : memref<10000x16xf32, #tpu.memory_space<vmem_shared>>) target(%arg8 : memref<768x16xf32, #tpu.memory_space<vmem>>) offsets(%dma_start3A_252 : memref<768xi32, #tpu.memory_space<vmem>>) semaphore(%arg16 : memref<!tpu.dma_semaphore, #tpu.memory_space<semaphore_mem>>)
      } else {
      }
      %add3A_188 = arith.constant 2 : i32
      %add3A_189 = arith.addi %mul3A_74, %add3A_188 : i32
      %mul3A_190 = arith.constant 768 : i32
      %mul3A_191 = arith.muli %add3A_189, %mul3A_190 : i32
      %dma_wait3A_192 = tpu.memref_slice %arg6[%mul3A_191] : memref<10112xi32, #tpu.memory_space<vmem>> -> memref<768xi32, #tpu.memory_space<vmem>>
      %dma_wait3A_193 = arith.constant 0 : i32
      %dma_wait3A_194 = arith.constant 0 : i32
      %dma_wait3A_195 = tpu.memref_slice %arg13[%dma_wait3A_193, %dma_wait3A_194] : memref<10000x16xf32, #tpu.memory_space<vmem_shared>> -> memref<10000x16xf32, #tpu.memory_space<vmem_shared>>
      tpu.wait_indirect_dma semaphore(%arg23 : memref<!tpu.dma_semaphore, #tpu.memory_space<semaphore_mem>>) src(%arg9 : memref<768x16xf32, #tpu.memory_space<vmem>>) dst(%dma_wait3A_195 : memref<10000x16xf32, #tpu.memory_space<vmem_shared>>)
      %add3A_196 = arith.constant 6 : i32
      %add3A_197 = arith.addi %add3A_189, %add3A_196 : i32
      %lt3A_198 = arith.constant 12 : i32
      %lt3A_199 = arith.cmpi slt, %add3A_197, %lt3A_198 : i32
      %convert_element_type3A_200 = arith.extui %lt3A_199 : i1 to i32
      %cond3A_201 = arith.constant 0 : i32
      %cond3A_202 = arith.cmpi ne, %convert_element_type3A_200, %cond3A_201 : i32
      scf.if %cond3A_202 {
        %add3A_248 = arith.constant 6 : i32
        %add3A_249 = arith.addi %add3A_189, %add3A_248 : i32
        %mul3A_250 = arith.constant 768 : i32
        %mul3A_251 = arith.muli %add3A_249, %mul3A_250 : i32
        %dma_start3A_252 = tpu.memref_slice %arg5[%mul3A_251] : memref<10112xi32, #tpu.memory_space<vmem>> -> memref<768xi32, #tpu.memory_space<vmem>>
        %dma_start3A_253 = arith.constant 0 : i32
        %dma_start3A_254 = arith.constant 0 : i32
        %dma_start3A_255 = tpu.memref_slice %arg14[%dma_start3A_253, %dma_start3A_254] : memref<10000x16xf32, #tpu.memory_space<vmem_shared>> -> memref<10000x16xf32, #tpu.memory_space<vmem_shared>>
        tpu.enqueue_indirect_dma source(%dma_start3A_255 : memref<10000x16xf32, #tpu.memory_space<vmem_shared>>) target(%arg9 : memref<768x16xf32, #tpu.memory_space<vmem>>) offsets(%dma_start3A_252 : memref<768xi32, #tpu.memory_space<vmem>>) semaphore(%arg17 : memref<!tpu.dma_semaphore, #tpu.memory_space<semaphore_mem>>)
      } else {
      }
      %add3A_203 = arith.constant 3 : i32
      %add3A_204 = arith.addi %mul3A_74, %add3A_203 : i32
      %mul3A_205 = arith.constant 768 : i32
      %mul3A_206 = arith.muli %add3A_204, %mul3A_205 : i32
      %dma_wait3A_207 = tpu.memref_slice %arg6[%mul3A_206] : memref<10112xi32, #tpu.memory_space<vmem>> -> memref<768xi32, #tpu.memory_space<vmem>>
      %dma_wait3A_208 = arith.constant 0 : i32
      %dma_wait3A_209 = arith.constant 0 : i32
      %dma_wait3A_210 = tpu.memref_slice %arg13[%dma_wait3A_208, %dma_wait3A_209] : memref<10000x16xf32, #tpu.memory_space<vmem_shared>> -> memref<10000x16xf32, #tpu.memory_space<vmem_shared>>
      tpu.wait_indirect_dma semaphore(%arg24 : memref<!tpu.dma_semaphore, #tpu.memory_space<semaphore_mem>>) src(%arg10 : memref<768x16xf32, #tpu.memory_space<vmem>>) dst(%dma_wait3A_210 : memref<10000x16xf32, #tpu.memory_space<vmem_shared>>)
      %add3A_211 = arith.constant 6 : i32
      %add3A_212 = arith.addi %add3A_204, %add3A_211 : i32
      %lt3A_213 = arith.constant 12 : i32
      %lt3A_214 = arith.cmpi slt, %add3A_212, %lt3A_213 : i32
      %convert_element_type3A_215 = arith.extui %lt3A_214 : i1 to i32
      %cond3A_216 = arith.constant 0 : i32
      %cond3A_217 = arith.cmpi ne, %convert_element_type3A_215, %cond3A_216 : i32
      scf.if %cond3A_217 {
        %add3A_248 = arith.constant 6 : i32
        %add3A_249 = arith.addi %add3A_204, %add3A_248 : i32
        %mul3A_250 = arith.constant 768 : i32
        %mul3A_251 = arith.muli %add3A_249, %mul3A_250 : i32
        %dma_start3A_252 = tpu.memref_slice %arg5[%mul3A_251] : memref<10112xi32, #tpu.memory_space<vmem>> -> memref<768xi32, #tpu.memory_space<vmem>>
        %dma_start3A_253 = arith.constant 0 : i32
        %dma_start3A_254 = arith.constant 0 : i32
        %dma_start3A_255 = tpu.memref_slice %arg14[%dma_start3A_253, %dma_start3A_254] : memref<10000x16xf32, #tpu.memory_space<vmem_shared>> -> memref<10000x16xf32, #tpu.memory_space<vmem_shared>>
        tpu.enqueue_indirect_dma source(%dma_start3A_255 : memref<10000x16xf32, #tpu.memory_space<vmem_shared>>) target(%arg10 : memref<768x16xf32, #tpu.memory_space<vmem>>) offsets(%dma_start3A_252 : memref<768xi32, #tpu.memory_space<vmem>>) semaphore(%arg18 : memref<!tpu.dma_semaphore, #tpu.memory_space<semaphore_mem>>)
      } else {
      }
      %add3A_218 = arith.constant 4 : i32
      %add3A_219 = arith.addi %mul3A_74, %add3A_218 : i32
      %mul3A_220 = arith.constant 768 : i32
      %mul3A_221 = arith.muli %add3A_219, %mul3A_220 : i32
      %dma_wait3A_222 = tpu.memref_slice %arg6[%mul3A_221] : memref<10112xi32, #tpu.memory_space<vmem>> -> memref<768xi32, #tpu.memory_space<vmem>>
      %dma_wait3A_223 = arith.constant 0 : i32
      %dma_wait3A_224 = arith.constant 0 : i32
      %dma_wait3A_225 = tpu.memref_slice %arg13[%dma_wait3A_223, %dma_wait3A_224] : memref<10000x16xf32, #tpu.memory_space<vmem_shared>> -> memref<10000x16xf32, #tpu.memory_space<vmem_shared>>
      tpu.wait_indirect_dma semaphore(%arg25 : memref<!tpu.dma_semaphore, #tpu.memory_space<semaphore_mem>>) src(%arg11 : memref<768x16xf32, #tpu.memory_space<vmem>>) dst(%dma_wait3A_225 : memref<10000x16xf32, #tpu.memory_space<vmem_shared>>)
      %add3A_226 = arith.constant 6 : i32
      %add3A_227 = arith.addi %add3A_219, %add3A_226 : i32
      %lt3A_228 = arith.constant 12 : i32
      %lt3A_229 = arith.cmpi slt, %add3A_227, %lt3A_228 : i32
      %convert_element_type3A_230 = arith.extui %lt3A_229 : i1 to i32
      %cond3A_231 = arith.constant 0 : i32
      %cond3A_232 = arith.cmpi ne, %convert_element_type3A_230, %cond3A_231 : i32
      scf.if %cond3A_232 {
        %add3A_248 = arith.constant 6 : i32
        %add3A_249 = arith.addi %add3A_219, %add3A_248 : i32
        %mul3A_250 = arith.constant 768 : i32
        %mul3A_251 = arith.muli %add3A_249, %mul3A_250 : i32
        %dma_start3A_252 = tpu.memref_slice %arg5[%mul3A_251] : memref<10112xi32, #tpu.memory_space<vmem>> -> memref<768xi32, #tpu.memory_space<vmem>>
        %dma_start3A_253 = arith.constant 0 : i32
        %dma_start3A_254 = arith.constant 0 : i32
        %dma_start3A_255 = tpu.memref_slice %arg14[%dma_start3A_253, %dma_start3A_254] : memref<10000x16xf32, #tpu.memory_space<vmem_shared>> -> memref<10000x16xf32, #tpu.memory_space<vmem_shared>>
        tpu.enqueue_indirect_dma source(%dma_start3A_255 : memref<10000x16xf32, #tpu.memory_space<vmem_shared>>) target(%arg11 : memref<768x16xf32, #tpu.memory_space<vmem>>) offsets(%dma_start3A_252 : memref<768xi32, #tpu.memory_space<vmem>>) semaphore(%arg19 : memref<!tpu.dma_semaphore, #tpu.memory_space<semaphore_mem>>)
      } else {
      }
      %add3A_233 = arith.constant 5 : i32
      %add3A_234 = arith.addi %mul3A_74, %add3A_233 : i32
      %mul3A_235 = arith.constant 768 : i32
      %mul3A_236 = arith.muli %add3A_234, %mul3A_235 : i32
      %dma_wait3A_237 = tpu.memref_slice %arg6[%mul3A_236] : memref<10112xi32, #tpu.memory_space<vmem>> -> memref<768xi32, #tpu.memory_space<vmem>>
      %dma_wait3A_238 = arith.constant 0 : i32
      %dma_wait3A_239 = arith.constant 0 : i32
      %dma_wait3A_240 = tpu.memref_slice %arg13[%dma_wait3A_238, %dma_wait3A_239] : memref<10000x16xf32, #tpu.memory_space<vmem_shared>> -> memref<10000x16xf32, #tpu.memory_space<vmem_shared>>
      tpu.wait_indirect_dma semaphore(%arg26 : memref<!tpu.dma_semaphore, #tpu.memory_space<semaphore_mem>>) src(%arg12 : memref<768x16xf32, #tpu.memory_space<vmem>>) dst(%dma_wait3A_240 : memref<10000x16xf32, #tpu.memory_space<vmem_shared>>)
      %add3A_241 = arith.constant 6 : i32
      %add3A_242 = arith.addi %add3A_234, %add3A_241 : i32
      %lt3A_243 = arith.constant 12 : i32
      %lt3A_244 = arith.cmpi slt, %add3A_242, %lt3A_243 : i32
      %convert_element_type3A_245 = arith.extui %lt3A_244 : i1 to i32
      %cond3A_246 = arith.constant 0 : i32
      %cond3A_247 = arith.cmpi ne, %convert_element_type3A_245, %cond3A_246 : i32
      scf.if %cond3A_247 {
        %add3A_248 = arith.constant 6 : i32
        %add3A_249 = arith.addi %add3A_234, %add3A_248 : i32
        %mul3A_250 = arith.constant 768 : i32
        %mul3A_251 = arith.muli %add3A_249, %mul3A_250 : i32
        %dma_start3A_252 = tpu.memref_slice %arg5[%mul3A_251] : memref<10112xi32, #tpu.memory_space<vmem>> -> memref<768xi32, #tpu.memory_space<vmem>>
        %dma_start3A_253 = arith.constant 0 : i32
        %dma_start3A_254 = arith.constant 0 : i32
        %dma_start3A_255 = tpu.memref_slice %arg14[%dma_start3A_253, %dma_start3A_254] : memref<10000x16xf32, #tpu.memory_space<vmem_shared>> -> memref<10000x16xf32, #tpu.memory_space<vmem_shared>>
        tpu.enqueue_indirect_dma source(%dma_start3A_255 : memref<10000x16xf32, #tpu.memory_space<vmem_shared>>) target(%arg12 : memref<768x16xf32, #tpu.memory_space<vmem>>) offsets(%dma_start3A_252 : memref<768xi32, #tpu.memory_space<vmem>>) semaphore(%arg20 : memref<!tpu.dma_semaphore, #tpu.memory_space<semaphore_mem>>)
      } else {
      }
    }
    %scan3A_57 = arith.constant 2 : i32
    %dma_start3A_58 = arith.constant 9216 : i32
    %dma_start3A_59 = tpu.memref_slice %arg5[%dma_start3A_58] : memref<10112xi32, #tpu.memory_space<vmem>> -> memref<768xi32, #tpu.memory_space<vmem>>
    %dma_start3A_60 = arith.constant 0 : i32
    %dma_start3A_61 = arith.constant 0 : i32
    %dma_start3A_62 = tpu.memref_slice %arg14[%dma_start3A_60, %dma_start3A_61] : memref<10000x16xf32, #tpu.memory_space<vmem_shared>> -> memref<10000x16xf32, #tpu.memory_space<vmem_shared>>
    tpu.enqueue_indirect_dma source(%dma_start3A_62 : memref<10000x16xf32, #tpu.memory_space<vmem_shared>>) target(%arg7 : memref<768x16xf32, #tpu.memory_space<vmem>>) offsets(%dma_start3A_59 : memref<768xi32, #tpu.memory_space<vmem>>) semaphore(%arg15 : memref<!tpu.dma_semaphore, #tpu.memory_space<semaphore_mem>>)
    %dma_wait3A = arith.constant 9216 : i32
    %dma_wait3A_63 = tpu.memref_slice %arg5[%dma_wait3A] : memref<10112xi32, #tpu.memory_space<vmem>> -> memref<768xi32, #tpu.memory_space<vmem>>
    %dma_wait3A_64 = arith.constant 0 : i32
    %dma_wait3A_65 = arith.constant 0 : i32
    %dma_wait3A_66 = tpu.memref_slice %arg14[%dma_wait3A_64, %dma_wait3A_65] : memref<10000x16xf32, #tpu.memory_space<vmem_shared>> -> memref<10000x16xf32, #tpu.memory_space<vmem_shared>>
    tpu.wait_indirect_dma semaphore(%arg15 : memref<!tpu.dma_semaphore, #tpu.memory_space<semaphore_mem>>) src(%dma_wait3A_66 : memref<10000x16xf32, #tpu.memory_space<vmem_shared>>) dst(%arg7 : memref<768x16xf32, #tpu.memory_space<vmem>>)
    "tpu.region"() ({
      %run_scoped3A_72 = tpu.sem_alloc : memref<!tpu.dma_semaphore, #tpu.memory_space<semaphore_mem>>
      %dma_start3A_73 = arith.constant 9216 : i32
      %dma_start3A_74 = tpu.memref_slice %arg6[%dma_start3A_73] : memref<10112xi32, #tpu.memory_space<vmem>> -> memref<768xi32, #tpu.memory_space<vmem>>
      %dma_start3A_75 = arith.constant 0 : i32
      %dma_start3A_76 = arith.constant 0 : i32
      %dma_start3A_77 = tpu.memref_slice %arg13[%dma_start3A_75, %dma_start3A_76] : memref<10000x16xf32, #tpu.memory_space<vmem_shared>> -> memref<10000x16xf32, #tpu.memory_space<vmem_shared>>
      tpu.enqueue_indirect_dma source(%arg7 : memref<768x16xf32, #tpu.memory_space<vmem>>) target(%dma_start3A_77 : memref<10000x16xf32, #tpu.memory_space<vmem_shared>>) offsets(%dma_start3A_74 : memref<768xi32, #tpu.memory_space<vmem>>) semaphore(%run_scoped3A_72 : memref<!tpu.dma_semaphore, #tpu.memory_space<semaphore_mem>>) {add = true}
      %dma_wait3A_78 = arith.constant 9216 : i32
      %dma_wait3A_79 = tpu.memref_slice %arg6[%dma_wait3A_78] : memref<10112xi32, #tpu.memory_space<vmem>> -> memref<768xi32, #tpu.memory_space<vmem>>
      %dma_wait3A_80 = arith.constant 0 : i32
      %dma_wait3A_81 = arith.constant 0 : i32
      %dma_wait3A_82 = tpu.memref_slice %arg13[%dma_wait3A_80, %dma_wait3A_81] : memref<10000x16xf32, #tpu.memory_space<vmem_shared>> -> memref<10000x16xf32, #tpu.memory_space<vmem_shared>>
      tpu.wait_indirect_dma semaphore(%run_scoped3A_72 : memref<!tpu.dma_semaphore, #tpu.memory_space<semaphore_mem>>) src(%arg7 : memref<768x16xf32, #tpu.memory_space<vmem>>) dst(%dma_wait3A_82 : memref<10000x16xf32, #tpu.memory_space<vmem_shared>>)
      tpu.yield
    }) : () -> ()
    %barrier3A_67 = arith.constant 0 : index
    tpu.barrier barrier_id(%barrier3A_67)
    %mul3A_68 = arith.constant 625 : i32
    %mul3A_69 = arith.muli %arg1, %mul3A_68 : i32
    %mul3A_70 = arith.constant 625 : i32
    %mul3A_71 = arith.muli %arg1, %mul3A_70 : i32
    "tpu.region"() ({
      %run_scoped3A_72 = tpu.sem_alloc : memref<!tpu.dma_semaphore, #tpu.memory_space<semaphore_mem>>
      %dma_start3A_73 = arith.constant 0 : i32
      %dma_start3A_74 = tpu.memref_slice %arg4[%arg0, %mul3A_71, %dma_start3A_73] : memref<2x10000x16xf32, #tpu.memory_space<hbm>> -> memref<1x625x16xf32, #tpu.memory_space<hbm>>
      %dma_start3A_75 = tpu.memref_squeeze %dma_start3A_74 : memref<1x625x16xf32, #tpu.memory_space<hbm>> -> memref<625x16xf32, #tpu.memory_space<hbm>>
      %dma_start3A_76 = arith.constant 0 : i32
      %dma_start3A_77 = tpu.memref_slice %arg13[%mul3A_69, %dma_start3A_76] : memref<10000x16xf32, #tpu.memory_space<vmem_shared>> -> memref<625x16xf32, #tpu.memory_space<vmem_shared>>
      tpu.enqueue_dma source(%dma_start3A_77 : memref<625x16xf32, #tpu.memory_space<vmem_shared>>) target(%dma_start3A_75 : memref<625x16xf32, #tpu.memory_space<hbm>>) target_semaphore(%run_scoped3A_72 : memref<!tpu.dma_semaphore, #tpu.memory_space<semaphore_mem>>)
      %dma_wait3A_78 = arith.constant 0 : i32
      %dma_wait3A_79 = tpu.memref_slice %arg4[%arg0, %mul3A_71, %dma_wait3A_78] : memref<2x10000x16xf32, #tpu.memory_space<hbm>> -> memref<1x625x16xf32, #tpu.memory_space<hbm>>
      %dma_wait3A_80 = tpu.memref_squeeze %dma_wait3A_79 : memref<1x625x16xf32, #tpu.memory_space<hbm>> -> memref<625x16xf32, #tpu.memory_space<hbm>>
      %dma_wait3A_81 = arith.constant 0 : i32
      %dma_wait3A_82 = tpu.memref_slice %arg13[%mul3A_69, %dma_wait3A_81] : memref<10000x16xf32, #tpu.memory_space<vmem_shared>> -> memref<625x16xf32, #tpu.memory_space<vmem_shared>>
      tpu.wait_dma2 semaphore(%run_scoped3A_72 : memref<!tpu.dma_semaphore, #tpu.memory_space<semaphore_mem>>) src(%dma_wait3A_82 : memref<625x16xf32, #tpu.memory_space<vmem_shared>>) dst(%dma_wait3A_80 : memref<625x16xf32, #tpu.memory_space<hbm>>)
      tpu.yield
    }) : () -> ()
    return
  }
}

module attributes {stable_mosaic.version = 14 : i64} {
  func.func @_mm1_body(%arg0: memref<10000x128xf32, #tpu.memory_space<vmem>>, %arg1: memref<128x16xf32, #tpu.memory_space<vmem>>, %arg2: memref<10000x16xf32, #tpu.memory_space<vmem>>) attributes {dimension_semantics = [], scalar_prefetch = 0 : i64, scratch_operands = 0 : i64, tpu.core_type = #tpu.core_type<tc>} {
    %get3A = arith.constant 0 : index
    %get3A_0 = arith.constant 0 : index
    %get3A_1 = vector.load %arg0[%get3A, %get3A_0] : memref<10000x128xf32, #tpu.memory_space<vmem>>, vector<10000x128xf32>
    %get3A_2 = arith.constant 0 : index
    %get3A_3 = arith.constant 0 : index
    %get3A_4 = vector.load %arg1[%get3A_2, %get3A_3] : memref<128x16xf32, #tpu.memory_space<vmem>>, vector<128x16xf32>
    %dot_general3A = arith.constant dense<0.000000e+00> : vector<10000x16xf32>
    %dot_general3A_5 = tpu.matmul %get3A_1, %get3A_4, %dot_general3A {dimension_numbers = #tpu.dot_dimension_numbers<[1], [0], [0], [1], [0, 0, 1, 1], [], []>, transpose_lhs_hint = false} : vector<10000x128xf32>, vector<128x16xf32>, vector<10000x16xf32> -> vector<10000x16xf32>
    %swap3A = arith.constant 0 : index
    %swap3A_6 = arith.constant 0 : index
    %swap3A_7 = vector.load %arg2[%swap3A, %swap3A_6] : memref<10000x16xf32, #tpu.memory_space<vmem>>, vector<10000x16xf32>
    tpu.vector_store %arg2[%swap3A, %swap3A_6], %dot_general3A_5 {strides = array<i32>} : memref<10000x16xf32, #tpu.memory_space<vmem>>, vector<10000x16xf32>,
    return
  }
}

module attributes {stable_mosaic.version = 14 : i64} {
  func.func @_mlp_body(%arg0: memref<1250x128xf32, #tpu.memory_space<vmem>>, %arg1: memref<2x1250x128xf32, #tpu.memory_space<vmem>>, %arg2: memref<1x1xf32, #tpu.memory_space<vmem>>, %arg3: memref<1x128xf32, #tpu.memory_space<vmem>>, %arg4: memref<128x128xf32, #tpu.memory_space<vmem>>, %arg5: memref<1x128xf32, #tpu.memory_space<vmem>>, %arg6: memref<1250x128xf32, #tpu.memory_space<vmem>>) attributes {dimension_semantics = [], scalar_prefetch = 0 : i64, scratch_operands = 0 : i64, tpu.core_type = #tpu.core_type<tc>} {
    %get3A = arith.constant 0 : index
    %get3A_0 = arith.constant 0 : index
    %get3A_1 = vector.load %arg2[%get3A, %get3A_0] : memref<1x1xf32, #tpu.memory_space<vmem>>, vector<1x1xf32>
    %get3A_2 = vector.extract %get3A_1[0, 0] : f32 from vector<1x1xf32>
    %get3A_3 = arith.constant 0 : index
    %get3A_4 = arith.constant 0 : index
    %get3A_5 = vector.load %arg0[%get3A_3, %get3A_4] : memref<1250x128xf32, #tpu.memory_space<vmem>>, vector<1250x128xf32>
    %mul3A = vector.broadcast %get3A_2 : f32 to vector<1250x128xf32>
    %mul3A_6 = arith.mulf %mul3A, %get3A_5 : vector<1250x128xf32>
    %get3A_7 = arith.constant 0 : index
    %get3A_8 = arith.constant 0 : index
    %get3A_9 = arith.constant 0 : index
    %get3A_10 = vector.load %arg1[%get3A_7, %get3A_8, %get3A_9] : memref<2x1250x128xf32, #tpu.memory_space<vmem>>, vector<1x1250x128xf32>
    %get3A_11 = vector.shape_cast %get3A_10 : vector<1x1250x128xf32> to vector<1250x128xf32>
    %add3A = arith.addf %mul3A_6, %get3A_11 : vector<1250x128xf32>
    %get3A_12 = arith.constant 1 : index
    %get3A_13 = arith.constant 0 : index
    %get3A_14 = arith.constant 0 : index
    %get3A_15 = vector.load %arg1[%get3A_12, %get3A_13, %get3A_14] : memref<2x1250x128xf32, #tpu.memory_space<vmem>>, vector<1x1250x128xf32>
    %get3A_16 = vector.shape_cast %get3A_15 : vector<1x1250x128xf32> to vector<1250x128xf32>
    %add3A_17 = arith.addf %add3A, %get3A_16 : vector<1250x128xf32>
    %get3A_18 = arith.constant 0 : index
    %get3A_19 = arith.constant 0 : index
    %get3A_20 = vector.load %arg3[%get3A_18, %get3A_19] : memref<1x128xf32, #tpu.memory_space<vmem>>, vector<1x128xf32>
    %add3A_21 = vector.broadcast %get3A_20 : vector<1x128xf32> to vector<1250x128xf32>
    %add3A_22 = arith.addf %add3A_17, %add3A_21 : vector<1250x128xf32>
    %max3A = arith.constant 0.000000e+00 : f32
    %max3A_23 = vector.broadcast %max3A : f32 to vector<1250x128xf32>
    %max3A_24 = arith.maximumf %add3A_22, %max3A_23 : vector<1250x128xf32>
    %get3A_25 = arith.constant 0 : index
    %get3A_26 = arith.constant 0 : index
    %get3A_27 = vector.load %arg4[%get3A_25, %get3A_26] : memref<128x128xf32, #tpu.memory_space<vmem>>, vector<128x128xf32>
    %dot_general3A = arith.constant dense<0.000000e+00> : vector<1250x128xf32>
    %dot_general3A_28 = tpu.matmul %max3A_24, %get3A_27, %dot_general3A {dimension_numbers = #tpu.dot_dimension_numbers<[1], [0], [0], [1], [0, 0, 1, 1], [], []>, transpose_lhs_hint = false} : vector<1250x128xf32>, vector<128x128xf32>, vector<1250x128xf32> -> vector<1250x128xf32>
    %get3A_29 = arith.constant 0 : index
    %get3A_30 = arith.constant 0 : index
    %get3A_31 = vector.load %arg5[%get3A_29, %get3A_30] : memref<1x128xf32, #tpu.memory_space<vmem>>, vector<1x128xf32>
    %add3A_32 = vector.broadcast %get3A_31 : vector<1x128xf32> to vector<1250x128xf32>
    %add3A_33 = arith.addf %dot_general3A_28, %add3A_32 : vector<1250x128xf32>
    %max3A_34 = arith.constant 0.000000e+00 : f32
    %max3A_35 = vector.broadcast %max3A_34 : f32 to vector<1250x128xf32>
    %max3A_36 = arith.maximumf %add3A_33, %max3A_35 : vector<1250x128xf32>
    %swap3A = arith.constant 0 : index
    %swap3A_37 = arith.constant 0 : index
    %swap3A_38 = vector.load %arg6[%swap3A, %swap3A_37] : memref<1250x128xf32, #tpu.memory_space<vmem>>, vector<1250x128xf32>
    tpu.vector_store %arg6[%swap3A, %swap3A_37], %max3A_36 {strides = array<i32>} : memref<1250x128xf32, #tpu.memory_space<vmem>>, vector<1250x128xf32>,
    return
  }
}

</mosaic_0001>

<sc_bundles>
// kernel: kernel.5.cloned.1.call-start
scs
__scs_entry_jumppad:
0x0: {  	(pc) =	sbr.rel $0x88, $3  }
0x1: {  	(tag) =	ssettag $0x0;
	lr =	simm.s32 $0x1  }
0x2: {  	[smem:$0x3F9A] =	sst lr;
	_ =	strace $0xD0000000  }
0x3: {  	_ = 	snop  }
0x4: {  	_ = 	snop  }
0x5: {  	_ = 	snop  }
0x6: {  	_ = 	snop  }
0x7: {  	_ = 	snop  }
__scs_overlays_trampoline_lowered:
0x8: {  	[smem:$0x3FA9] =	sst s0  }
0x9: {  	[smem:$0x3FAA] =	sst s1  }
0xa: {  	[smem:$0x3FAB] =	sst s2  }
0xb: {  	[smem:$0x3FAC] =	sst s3  }
0xc: {  	[smem:$0x3FAD] =	sst s4  }
0xd: {  	[smem:$0x3FAE] =	sst s5  }
0xe: {  	[smem:$0x3FAF] =	sst s6  }
0xf: {  	[smem:$0x3FB0] =	sst s7  }
0x10: {  	[smem:$0x3FB1] =	sst s8  }
0x11: {  	[smem:$0x3FB2] =	sst s9;
	s0 =	simm.s32 @!p0 $0x0  }
0x12: {  	s1 =	sld [smem:$0x3F98];
	s0 =	simm.s32 @p0 $0x1  }
0x13: {  	[smem:$0x3FB3] =	sst s0;
	s0 =	simm.s32 @!p1 $0x0  }
0x14: {  	s2 =	sld [smem:$0x3F97];
	s0 =	simm.s32 @p1 $0x1  }
0x15: {  	[smem:$0x3FB4] =	sst s0;
	s0 =	simm.s32 @!p2 $0x0  }
0x16: {  	s3 =	sld [smem:$0x3FDB];
	s0 =	simm.s32 @p2 $0x1  }
0x17: {  	s4 =	simm.s32 $0x1BF5;
	[smem:$0x3FB6] =	sst s0  }
0x18: {  	s0 =	sld [smem:$0x3F99];
	_ =	swait.ge [sflag:s4], $0x0  }
0x19: {  	s7 =	sld [smem:$0x3F9A]  }
0x1a: {  	s8 =	sadd.s32 $0xFFFFE003, lr  }
0x1b: {  	s9 =	sadd.s32 $0xFFFFFEF7, lr;
	s5 =	simm.s32 $0xFFFFFFFF;
	p2 =	slt.u32 s8, $0xFFFFF086  }
0x1c: {  	p1 =	slt.u32 s9, $0xF7A;
	s5 =	simm.s32 @!p2 $0x0  }
0x1d: {  	s5 =	simm.s32 @p1 $0x1;
	p0 =	seq.s32 s7, s2  }
0x1e: {  	s7 =	smul.u32 @!p0 $0xF7A, s2;
	p2 =	seq.s32 @!p0 s5, $0x0  }
0x1f: {  	s9 =	smul.u32 $0xF7A, s1;
	s8 =	simm.s32 @!p0 $0x1BF5;
	p2 =	por !p2, p0  }
0x20: {  	[sflag:s8] =	ssyncset.s32 @!p0 $0xFFFFF086;
	s6 =	sadd.s32 @!p0 s3, s7;
	s7 =	simm.s32 @!p0 $0x108  }
0x21: {  	s3 =	sadd.s32 s3, s9;
	s6 =	sadd.s32 @!p0 $0x88, s6;
	s7 =	simm.s32 @p2 $0x1082  }
0x22: {  	[simem:s7], [sflag:s8] =	dma.local @!p0 [hbm:s6], $0xF7A  }
0x23: {  	s9 =	sor.u32 $0xD0000000, s2;
	s6 =	simm.s32 $0x108;
	_ =	swait.ge @!p0 [sflag:s8], $0x0  }
0x24: {  	s3 =	sadd.s32 $0x88, s3;
	s6 =	simm.s32 @!p1 $0x1082;
	[sflag:s4] =	ssyncset.s32 $0xFFFFF086  }
0x25: {  	[simem:s6], [sflag:s4] =	dma.local [hbm:s3], $0xF7A  }
0x26: {  	[smem:$0x3F9A] =	sst s1;
	(tag) =	ssettag s2;
	_ =	strace s9  }
0x27: {  	s1 =	sld [smem:$0x3FAA]  }
0x28: {  	s2 =	sld [smem:$0x3FAB]  }
0x29: {  	s4 =	sld [smem:$0x3FAD]  }
0x2a: {  	p0 =	seq.s32 s5, $0x0;
	s5 =	sld [smem:$0x3FAE]  }
0x2b: {  	s6 =	sld [smem:$0x3FAF]  }
0x2c: {  	s7 =	sld [smem:$0x3FB0]  }
0x2d: {  	s3 =	simm.s32 $0x108;
	s8 =	sld [smem:$0x3FB1]  }
0x2e: {  	s3 =	simm.s32 @!p0 $0x1082;
	s9 =	sld [smem:$0x3FB2]  }
0x2f: {  	lr =	sadd.s32 s0, s3;
	s0 =	sld [smem:$0x3FA9]  }
0x30: {  	s3 =	sld [smem:$0x3FAC]  }
0x31: {  	[smem:$0x3FB5] =	sst s10  }
0x32: {  	s10 =	sld [smem:$0x3FB3];
	_ =	sdelay $0x3  }
0x33: {  	p0 =	seq.s32 s10, $0x1;
	s10 =	sld [smem:$0x3FB5];
	_ =	sdelay $0x3  }
0x34: {  	[smem:$0x3FB5] =	sst s10  }
0x35: {  	s10 =	sld [smem:$0x3FB4];
	_ =	sdelay $0x3  }
0x36: {  	p1 =	seq.s32 s10, $0x1;
	s10 =	sld [smem:$0x3FB5];
	_ =	sdelay $0x3  }
0x37: {  	[smem:$0x3FB5] =	sst s10  }
0x38: {  	s10 =	sld [smem:$0x3FB6]  }
0x39: {  	_ = 	snop;
	(pc) =	sbr.ind lr, $3  }
0x3a: {  	_ = 	snop  }
0x3b: {  	_ = 	snop  }
0x3c: {  	p2 =	seq.s32 s10, $0x1;
	s10 =	sld [smem:$0x3FB5]  }
0x3d: {  	_ =	shalt  }
0x3e: {  	_ =	shalt  }
0x3f: {  	_ =	shalt  }
0x40: {  	_ =	shalt  }
0x41: {  	_ =	shalt  }
0x42: {  	_ =	shalt  }
0x43: {  	_ =	shalt  }
0x44: {  	_ =	shalt  }
0x45: {  	_ =	shalt  }
0x46: {  	_ =	shalt  }
0x47: {  	_ =	shalt  }
0x48: {  	_ =	shalt  }
0x49: {  	_ =	shalt  }
0x4a: {  	_ =	shalt  }
0x4b: {  	_ =	shalt  }
0x4c: {  	_ =	shalt  }
0x4d: {  	_ =	shalt  }
0x4e: {  	_ =	shalt  }
0x4f: {  	_ =	shalt  }
0x50: {  	_ =	shalt  }
0x51: {  	_ =	shalt  }
0x52: {  	_ =	shalt  }
0x53: {  	_ =	shalt  }
0x54: {  	_ =	shalt  }
0x55: {  	_ =	shalt  }
0x56: {  	_ =	shalt  }
0x57: {  	_ =	shalt  }
0x58: {  	_ =	shalt  }
0x59: {  	_ =	shalt  }
0x5a: {  	_ =	shalt  }
0x5b: {  	_ =	shalt  }
0x5c: {  	_ =	shalt  }
0x5d: {  	_ =	shalt  }
0x5e: {  	_ =	shalt  }
0x5f: {  	_ =	shalt  }
0x60: {  	_ =	shalt  }
0x61: {  	_ =	shalt  }
0x62: {  	_ =	shalt  }
0x63: {  	_ =	shalt  }
0x64: {  	_ =	shalt  }
0x65: {  	_ =	shalt  }
0x66: {  	_ =	shalt  }
0x67: {  	_ =	shalt  }
0x68: {  	_ =	shalt  }
0x69: {  	_ =	shalt  }
0x6a: {  	_ =	shalt  }
0x6b: {  	_ =	shalt  }
0x6c: {  	_ =	shalt  }
0x6d: {  	_ =	shalt  }
0x6e: {  	_ =	shalt  }
0x6f: {  	_ =	shalt  }
0x70: {  	_ =	shalt  }
0x71: {  	_ =	shalt  }
0x72: {  	_ =	shalt  }
0x73: {  	_ =	shalt  }
0x74: {  	_ =	shalt  }
0x75: {  	_ =	shalt  }
0x76: {  	_ =	shalt  }
0x77: {  	_ =	shalt  }
0x78: {  	_ =	shalt  }
0x79: {  	_ =	shalt  }
0x7a: {  	_ =	shalt  }
0x7b: {  	_ =	shalt  }
0x7c: {  	_ =	shalt  }
0x7d: {  	_ =	shalt  }
0x7e: {  	_ =	shalt  }
0x7f: {  	_ =	shalt  }
0x80: {  	_ =	shalt  }
0x81: {  	_ =	shalt  }
0x82: {  	_ =	shalt  }
0x83: {  	_ =	shalt  }
0x84: {  	_ =	shalt  }
0x85: {  	_ =	shalt  }
0x86: {  	_ =	shalt  }
0x87: {  	_ =	shalt  }
.Lfunc_end0:
.L_simem_size_0:
called_computation_lowered:
.L_overlay_start_0:
0x88: {  	s2 =	sld [smem:$0x3FD9]  }
0x89: {  	s3 =	sld [smem:$0x3FFE];
	_ =	sdelay $0x1  }
0x8a: {  	s1 =	srdreg.scid  }
0x8b: {  	s0 =	sand.u32 $0x1, s1  }
0x8c: {  	s17 =	sshll.u32 s0, $0xA;
	s2 =	sadd.s32 s3, s2  }
0x8d: {  	s2 =	sadd.s32 s2, s17  }
0x8e: {  	[smem:$0x3FC1] =	sst s2  }
0x8f: {  	_ = 	snop  }
0x90: {  	s2 =	sld [smem:$0x3FD0];
	(tm) =	ssettm $0x1  }
0x91: {  	s18 =	sld [smem:$0x3FFB];
	_ =	sdelay $0x3  }
0x92: {  	_ =	strace s18  }
0x93: {  	s3 =	sld [smem:$0x3FFC];
	_ =	sdelay $0x3  }
0x94: {  	_ =	strace s3  }
0x95: {  	s3 =	sld [smem:$0x3FFD];
	_ =	sdelay $0x3  }
0x96: {  	_ =	strace s3  }
0x97: {  	_ =	strace $0x8FFFFFFF  }
0x98: {  	s19 =	sld [smem:$0x3FDB];
	_ =	sdelay $0x1  }
0x99: {  	s4 =	simm.s32 $_scs_section_size  }
0x9a: {  	s5 =	simm.s32 $_size__tile_overlayer_lowered;
	s6 =	simm.s32 $_tile_overlayer_lowered  }
0x9b: {  	s22 =	simm.s32 $0x1BFF;
	s21 =	sshll.u32 s6, $0x1;
	s3 =	sadd.s32 s4, s19  }
0x9c: {  	s7 =	simm.s32 $0x0;
	s20 =	sshll.u32 s5, $0x1;
	s5 =	sadd.s32 s21, s3  }
0x9d: {  	[timem:s7], [sflag:s22] =	dma.local [hbm:s5], s20  }
0x9e: {  	_ =	swait.ge [sflag:s22], s20  }
0x9f: {  	s4 =	ssub.s32 $0x0, s20;
	[sflag:s22] =	ssyncset.done $0x0  }
0xa0: {  	[sflag:s22] =	ssyncadd.s32 s4;
	_ =	sdelay $0x1  }
0xa1: {  	s23 =	simm.s32 $0x1B8B  }
0xa2: {  	_ =	swait.ge [sflag:s23], $0x1  }
0xa3: {  	[sflag:s23] =	ssyncset.done $0x0  }
0xa4: {  	s25 =	simm.s32 $0x1B8E;
	s24 =	sld [smem:$0x3FFE];
	[sflag:s23] =	ssyncadd.s32 $0xFFFFFFFF  }
0xa5: {  	s26 =	simm.s32 $execute0_lowered;
	[smem:$0x3FD2] =	sst s25  }
0xa6: {  	s5 =	sshll.u32 s26, $0x1;
	_ =	strace $0x80000046;
	[dreg:$0x1] =	wrdreg $0xFFFFFFFF  }
0xa7: {  	s28 =	simm.s32 $_size_execute0_lowered;
	s3 =	sadd.s32 s3, s5;
	[dreg:$0x0] =	wrdreg $0x0  }
0xa8: {  	s5 =	sshll.u32 s28, $0x1;
	[dreg:$0x2] =	wrdreg s3  }
0xa9: {  	[dreg:$0x3] =	wrdreg s5  }
0xaa: {  	[dreg:$0x4] =	wrdreg $0xC0  }
0xab: {  	_ =	task [dreg:s7], $0x5FFFF  }
0xac: {  	[dreg:$0x1] =	wrdreg $0xFFFFFFFF  }
0xad: {  	[dreg:$0x0] =	wrdreg $0x60  }
0xae: {  	[dreg:$0x2] =	wrdreg s24  }
0xaf: {  	[dreg:$0x3] =	wrdreg s2  }
0xb0: {  	[dreg:$0x4] =	wrdreg $0x196100  }
0xb1: {  	[dreg:$0x5] =	wrdreg $0x16F000  }
0xb2: {  	[dreg:$0x6] =	wrdreg $0x9  }
0xb3: {  	_ =	task.clear_ibuf [dreg:s7], $0x7FFFF;
	_ =	strace $0x90000046  }
0xb4: {  	s29 =	simm.s32 $0x9;
	_ =	strace $0x80000048  }
0xb5: {  	_ =	swait.ge [sflag:s29], $0x1  }
0xb6: {  	[sflag:s29] =	ssyncadd.s32 $0xFFFFFFFF  }
0xb7: {  	_ =	strace $0x90000048  }
0xb8: {  	_ =	sfence  }
0xb9: {  	s30 =	sld [smem:$0x0];
	_ =	sdelay $0x2  }
0xba: {  	s31 =	sshll.u32 s1, $0xD;
	s1 =	sshrl.u32 s1, $0x2  }
0xbb: {  	s3 =	sand.u32 $0x4000, s31;
	s1 =	sadd.s32 s1, s30  }
0xbc: {  	s0 =	sor.u32 s3, s0;
	s1 =	sshll.u32 s1, $0x11  }
0xbd: {  	s0 =	sor.u32 s1, s0  }
0xbe: {  	s0 =	sadd.s32 $0x8F2B, s0  }
0xbf: {  	[sflag:s0] =	ssyncadd.remote.s32 $0x1  }
0xc0: {  	_ =	sfence.sel $0xFFFF  }
0xc1: {  	[dreg:$0x0] =	wrdreg $0xFFFFFFFF;
	(pc) =	sbr.abs _section_cstart, $3  }
0xc2: {  	[dreg:$0x1] =	wrdreg $0xFFFFFFFF  }
0xc3: {  	_ =	task.clear_ibuf [dreg:s7], $0x2FFFF;
	_ =	strace $0x9FFFFFFF  }
0xc4: {  	(tm) =	ssettm $0x7FFFFFFF  }
0xc5: {  	_ =	shalt  }
tec
execute0_lowered:
.L_overlay_start_1:
0x0: {  	(tag) =	ssettag $0x1  }
0x1: {  	s0 =	rddreg [dreg:$0x0]  }
0x2: {  	s1 =	rddreg [dreg:$0x1];
	s3 =	srdreg.scid  }
0x3: {  	s11 =	stileid.u32;
	s2 =	rddreg [dreg:$0x2]  }
0x4: {  	s4 =	simm.s32 $0x0;
	s13 =	simm.s32 $0xD;
	s17 =	simm.s32 $0x4F00  }
0x5: {  	s28 =	simm.s32 $0x13F00;
	s29 =	simm.s32 $0x1;
	s30 =	simm.s32 $0x2  }
0x6: {  	s31 =	simm.s32 $0x6;
	s5 =	sand.u32 $0x1, s3;
	s3 =	rddreg [dreg:$0x3]  }
0x7: {  	s6 =	smul.u32 $0x2710, s11;
	s8 =	sshll.u32 s11, $0x1;
	[smem:$0x7FF] =	sst s4  }
0x8: {  	s10 =	sadd.s32 $0xC00, s0;
	p0 =	slt.u32 s11, $0xE;
	s26 =	sshll.u32 s11, $0x6  }
0x9: {  	s7 =	smul.u32 $0x27100, s5;
	s8 =	sor.u32 s5, s8;
	_ =	strace $0x80000047  }
0xa: {  	s5 =	ssub.s32 $0x2, s5;
	s15 =	sor.u32 $0x1C0D, s26;
	s26 =	simm.s32 $0x9  }
0xb: {  	s9 =	smul.u32 $0x2700, s8;
	s19 =	sshrl.u32 s5, $0x1;
	s20 =	sshll.u32 s8, $0x4  }
0xc: {  	s23 =	sshrl.u32 s6, $0x3;
	s24 =	sadd.s32 s6, s2;
	s8 =	simm.s32 $0xC  }
0xd: {  	s7 =	sadd.s32 s6, s7;
	s5 =	ssub.s32 s5, s19;
	s1 =	sadd.s32 s1, s23  }
0xe: {  	s16 =	sshrl.u32 s24, $0x3;
	s19 =	simm.s32 $0x7F00;
	s23 =	simm.s32 $0xDF00  }
0xf: {  	s24 =	simm.s32 $0x5;
	s7 =	sshrl.u32 s7, $0x3;
	s18 =	sshrl.u32 s9, $0x3  }
0x10: {  	[dreg:$0x9] =	wrdreg s1;
	s25 =	smax.u32 s5, $0x1;
	s1 =	simm.s32 $0x3  }
0x11: {  	s5 =	simm.s32 $0x0;
	s0 =	sadd.s32 s7, s0;
	s12 =	sadd.s32 s10, s18  }
0x12: {  	s7 =	sadd.s32 s10, s20;
	s10 =	sadd.s32 s6, s3;
	[dreg:$0xb] =	wrdreg s25  }
0x13: {  	s18 =	simm.s32 $0x300;
	[dreg:$0x5] =	wrdreg s12;
	s21 =	sadd.s32 $0x9C40, s12  }
0x14: {  	s25 =	simm.s32 $0x10F00;
	s22 =	sadd.s32 $0x9A40, s7;
	[dreg:$0x6] =	wrdreg s21  }
0x15: {  	s20 =	simm.s32 $0x4;
	s7 =	sadd.s32 $0x13680, s7;
	[dreg:$0x7] =	wrdreg s22  }
0x16: {  	s6 =	simm.s32 $0xA;
	s0 =	sadd.s32 $0x14600, s0;
	[dreg:$0x8] =	wrdreg s7  }
0x17: {  	s12 =	simm.s32 $0x2780;
	[dreg:$0xa] =	wrdreg s0;
	s21 =	simm.s32 $0xAF00  }
0x18: {  	v0 =	vimm.f32 $0.0e+00;
	s22 =	simm.s32 $0x7;
	s0 =	simm.s32 $0x8;
	s7 =	simm.s32 $0xB  }
.LBB2_1:
0x19: {  	s9 =	rddreg [dreg:$0x5]  }
0x1a: {  	[tilespmem:s4], [sflag:$0xD] =	stream.linear.gather [hbm4b:s9+s4], $0x2700, $0x38;
	[tilespmem:$0x1BD20] =	vst v63  }
0x1b: {  	_ =	swait.ge [sflag:s13], $0x2700  }
0x1c: {  	[sflag:s13] =	ssyncset.done $0x0  }
0x1d: {  	s11 =	rddreg [dreg:$0x6];
	[sflag:s13] =	ssyncadd.s32 $0xFFFFD900  }
0x1e: {  	[tilespmem:s12], [sflag:$0xD] =	stream.linear.gather [hbm4b:s11+s4], $0x2700, $0x38;
	[tilespmem:$0x1BD20] =	vst v63  }
0x1f: {  	_ =	swait.ge [sflag:s13], $0x2700  }
0x20: {  	s9 =	simm.s32 @!p0 $0x0;
	[sflag:s13] =	ssyncset.done $0x0  }
0x21: {  	s11 =	simm.s32 @!p0 $0x2700;
	s14 =	rddreg [dreg:$0x7];
	[sflag:s13] =	ssyncadd.s32 $0xFFFFD900  }
0x22: {  	[tilespmem:s11], [sflag:$0xD] =	stream.linear.gather @!p0 [hbm4b:s14+s9], $0x80, $0x38;
	[tilespmem:$0x1BD20] =	vst v63  }
0x23: {  	s11 =	simm.s32 @!p0 $0xD  }
0x24: {  	_ =	swait.ge @!p0 [sflag:s11], $0x80  }
0x25: {  	[sflag:s11] =	ssyncset.done @!p0 $0x0  }
0x26: {  	s14 =	simm.s32 @!p0 $0x4E80;
	s12 =	rddreg [dreg:$0x8];
	[sflag:s11] =	ssyncadd.s32 @!p0 $0xFFFFFF80  }
0x27: {  	[tilespmem:s14], [sflag:$0xD] =	stream.linear.gather @!p0 [hbm4b:s12+s9], $0x80, $0x38;
	[tilespmem:$0x1BD20] =	vst v63  }
0x28: {  	_ =	swait.ge @!p0 [sflag:s11], $0x80  }
0x29: {  	[sflag:s11] =	ssyncset.done @!p0 $0x0  }
0x2a: {  	s14 =	rddreg [dreg:$0x9];
	[sflag:s11] =	ssyncadd.s32 @!p0 $0xFFFFFF80  }
0x2b: {  	[spmem:s16], [sflag:s15] =	dma.local [hbm:s14], $0x4E2  }
0x2c: {  	_ =	swait.ge [sflag:s13], $0x4E2  }
0x2d: {  	[sflag:s13] =	ssyncset.done $0x0  }
0x2e: {  	s9 =	simm.s32 $0x40;
	s11 =	simm.s32 $0x0;
	[sflag:s13] =	ssyncadd.s32 $0xFFFFFB1E  }
.LBB2_2:
0x2f: {  	p1 =	sne.s32 s9, $0x9C00;
	[tilespmem:s11+$0x4F00] =	vst v0;
	s11 =	smov.u32 s9;
	s9 =	sadd.s32 $0x40, s9  }
.Ltmp0:
0x30: {  	(pc) =	sbr.rel @p1 .LBB2_2-.Ltmp0, $2  }
0x31: {  	_ =	sdelay $0x2  }
0x32: {  	s11 =	sshra.s32 s11, $0x2  }
0x33: {  	[tilespmem:s11+$0x4F00] =	vst v0  }
0x34: {  	[spmem:s10] =	stream.linear.scatter [tilespmem:s17], [sflag:$0xD], $0x2710, $0x38;
	[tilespmem:$0x1BD20] =	vst v63  }
0x35: {  	_ =	swait.ge [sflag:s13], $0x2710  }
0x36: {  	[sflag:s13] =	ssyncset.done $0x0  }
0x37: {  	s9 =	simm.s32 @!p0 $0x80;
	[sflag:s13] =	ssyncadd.s32 $0xFFFFD8F0  }
0x38: {  	s11 =	simm.s32 @!p0 $0x2700;
	s14 =	simm.s32 @!p0 $0x4F00;
	[bflag:$0x0] =	sbarrier.arrive $0xFFFF  }
0x39: {  	[tilespmem:s14], [sflag:$0x1] =	stream.indirect.gather @!p0 [spmem:s2], $0x10, s11, s9, $0xb8;
	[tilespmem:$0x1BD20] =	vst v63  }
0x3a: {  	s11 =	simm.s32 @!p0 $0x1  }
0x3b: {  	_ =	swait.ge @!p0 [sflag:s11], $0x800  }
0x3c: {  	[sflag:s11] =	ssyncset.done @!p0 $0x0  }
0x3d: {  	[sflag:s11] =	ssyncadd.s32 @!p0 $0xFFFFF800;
	s11 =	simm.s32 @!p0 $0x4E80  }
0x3e: {  	[spmem:s3] =	stream.indirect.scatter.add.f32 @!p0 [tilespmem:s14], [sflag:$0xD], $0x10, s11, s9, $0xb8;
	[tilespmem:$0x1BD20] =	vst v63  }
0x3f: {  	s9 =	simm.s32 @!p0 $0xD  }
0x40: {  	_ =	swait.ge @!p0 [sflag:s9], $0x800  }
0x41: {  	[sflag:s9] =	ssyncset.done @!p0 $0x0  }
0x42: {  	[sflag:s9] =	ssyncadd.s32 @!p0 $0xFFFFF800  }
0x43: {  	[tilespmem:s17], [sflag:$0x1] =	stream.indirect.gather [spmem:s2], $0x10, s4, s18, $0xb8;
	[tilespmem:$0x1BD20] =	vst v63  }
0x44: {  	_ = 	snop  }
0x45: {  	[tilespmem:s19], [sflag:$0x2] =	stream.indirect.gather [spmem:s2], $0x10, s18, s18, $0xb8;
	[tilespmem:$0x1BD20] =	vst v63  }
0x46: {  	s12 =	simm.s32 $0x600  }
0x47: {  	[tilespmem:s21], [sflag:$0x3] =	stream.indirect.gather [spmem:s2], $0x10, s12, s18, $0xb8;
	[tilespmem:$0x1BD20] =	vst v63  }
0x48: {  	s14 =	simm.s32 $0x900  }
0x49: {  	[tilespmem:s23], [sflag:$0x4] =	stream.indirect.gather [spmem:s2], $0x10, s14, s18, $0xb8;
	[tilespmem:$0x1BD20] =	vst v63  }
0x4a: {  	s11 =	simm.s32 $0xC00  }
0x4b: {  	[tilespmem:s25], [sflag:$0x5] =	stream.indirect.gather [spmem:s2], $0x10, s11, s18, $0xb8;
	[tilespmem:$0x1BD20] =	vst v63  }
0x4c: {  	s12 =	simm.s32 $0xF00  }
0x4d: {  	[tilespmem:s28], [sflag:$0x6] =	stream.indirect.gather [spmem:s2], $0x10, s12, s18, $0xb8;
	[tilespmem:$0x1BD20] =	vst v63  }
0x4e: {  	_ =	swait.ge [sflag:s29], $0x3000  }
0x4f: {  	[sflag:s29] =	ssyncset.done $0x0  }
0x50: {  	s12 =	simm.s32 $0x2780;
	[sflag:s29] =	ssyncadd.s32 $0xFFFFD000  }
0x51: {  	[spmem:s3] =	stream.indirect.scatter.add.f32 [tilespmem:s17], [sflag:$0x7], $0x10, s12, s18, $0xb8;
	[tilespmem:$0x1BD20] =	vst v63  }
0x52: {  	_ =	swait.ge [sflag:s30], $0x3000  }
0x53: {  	[sflag:s30] =	ssyncset.done $0x0  }
0x54: {  	s14 =	simm.s32 $0x2A80;
	[sflag:s30] =	ssyncadd.s32 $0xFFFFD000  }
0x55: {  	[spmem:s3] =	stream.indirect.scatter.add.f32 [tilespmem:s19], [sflag:$0x8], $0x10, s14, s18, $0xb8;
	[tilespmem:$0x1BD20] =	vst v63  }
0x56: {  	_ =	swait.ge [sflag:s1], $0x3000  }
0x57: {  	[sflag:s1] =	ssyncset.done $0x0  }
0x58: {  	s11 =	simm.s32 $0x2D80;
	[sflag:s1] =	ssyncadd.s32 $0xFFFFD000  }
0x59: {  	[spmem:s3] =	stream.indirect.scatter.add.f32 [tilespmem:s21], [sflag:$0x9], $0x10, s11, s18, $0xb8;
	[tilespmem:$0x1BD20] =	vst v63  }
0x5a: {  	_ =	swait.ge [sflag:s20], $0x3000  }
0x5b: {  	[sflag:s20] =	ssyncset.done $0x0  }
0x5c: {  	s14 =	simm.s32 $0x3080;
	[sflag:s20] =	ssyncadd.s32 $0xFFFFD000  }
0x5d: {  	[spmem:s3] =	stream.indirect.scatter.add.f32 [tilespmem:s23], [sflag:$0xA], $0x10, s14, s18, $0xb8;
	[tilespmem:$0x1BD20] =	vst v63  }
0x5e: {  	_ =	swait.ge [sflag:s24], $0x3000  }
0x5f: {  	[sflag:s24] =	ssyncset.done $0x0  }
0x60: {  	s11 =	simm.s32 $0x3380;
	[sflag:s24] =	ssyncadd.s32 $0xFFFFD000  }
0x61: {  	[spmem:s3] =	stream.indirect.scatter.add.f32 [tilespmem:s25], [sflag:$0xB], $0x10, s11, s18, $0xb8;
	[tilespmem:$0x1BD20] =	vst v63  }
0x62: {  	_ =	swait.ge [sflag:s31], $0x3000  }
0x63: {  	[sflag:s31] =	ssyncset.done $0x0  }
0x64: {  	s14 =	simm.s32 $0x3680;
	[sflag:s31] =	ssyncadd.s32 $0xFFFFD000  }
0x65: {  	[spmem:s3] =	stream.indirect.scatter.add.f32 [tilespmem:s28], [sflag:$0xC], $0x10, s14, s18, $0xb8;
	[tilespmem:$0x1BD20] =	vst v63  }
0x66: {  	_ =	swait.ge [sflag:s22], $0x3000  }
0x67: {  	[sflag:s22] =	ssyncset.done $0x0  }
0x68: {  	s11 =	simm.s32 $0x1200;
	[sflag:s22] =	ssyncadd.s32 $0xFFFFD000  }
0x69: {  	[tilespmem:s17], [sflag:$0x1] =	stream.indirect.gather [spmem:s2], $0x10, s11, s18, $0xb8;
	[tilespmem:$0x1BD20] =	vst v63  }
0x6a: {  	_ =	swait.ge [sflag:s0], $0x3000  }
0x6b: {  	[sflag:s0] =	ssyncset.done $0x0  }
0x6c: {  	s14 =	simm.s32 $0x1500;
	[sflag:s0] =	ssyncadd.s32 $0xFFFFD000  }
0x6d: {  	[tilespmem:s19], [sflag:$0x2] =	stream.indirect.gather [spmem:s2], $0x10, s14, s18, $0xb8;
	[tilespmem:$0x1BD20] =	vst v63  }
0x6e: {  	_ =	swait.ge [sflag:s26], $0x3000  }
0x6f: {  	[sflag:s26] =	ssyncset.done $0x0  }
0x70: {  	s11 =	simm.s32 $0x1800;
	[sflag:s26] =	ssyncadd.s32 $0xFFFFD000  }
0x71: {  	[tilespmem:s21], [sflag:$0x3] =	stream.indirect.gather [spmem:s2], $0x10, s11, s18, $0xb8;
	[tilespmem:$0x1BD20] =	vst v63  }
0x72: {  	_ =	swait.ge [sflag:s6], $0x3000  }
0x73: {  	[sflag:s6] =	ssyncset.done $0x0  }
0x74: {  	s14 =	simm.s32 $0x1B00;
	[sflag:s6] =	ssyncadd.s32 $0xFFFFD000  }
0x75: {  	[tilespmem:s23], [sflag:$0x4] =	stream.indirect.gather [spmem:s2], $0x10, s14, s18, $0xb8;
	[tilespmem:$0x1BD20] =	vst v63  }
0x76: {  	_ =	swait.ge [sflag:s7], $0x3000  }
0x77: {  	[sflag:s7] =	ssyncset.done $0x0  }
0x78: {  	s11 =	simm.s32 $0x1E00;
	[sflag:s7] =	ssyncadd.s32 $0xFFFFD000  }
0x79: {  	[tilespmem:s25], [sflag:$0x5] =	stream.indirect.gather [spmem:s2], $0x10, s11, s18, $0xb8;
	[tilespmem:$0x1BD20] =	vst v63  }
0x7a: {  	_ =	swait.ge [sflag:s8], $0x3000  }
0x7b: {  	[sflag:s8] =	ssyncset.done $0x0  }
0x7c: {  	s14 =	simm.s32 $0x2100;
	[sflag:s8] =	ssyncadd.s32 $0xFFFFD000  }
0x7d: {  	[tilespmem:s28], [sflag:$0x6] =	stream.indirect.gather [spmem:s2], $0x10, s14, s18, $0xb8;
	[tilespmem:$0x1BD20] =	vst v63  }
0x7e: {  	_ =	swait.ge [sflag:s29], $0x3000  }
0x7f: {  	[sflag:s29] =	ssyncset.done $0x0  }
0x80: {  	s11 =	simm.s32 $0x3980;
	[sflag:s29] =	ssyncadd.s32 $0xFFFFD000  }
0x81: {  	[spmem:s3] =	stream.indirect.scatter.add.f32 [tilespmem:s17], [sflag:$0x7], $0x10, s11, s18, $0xb8;
	[tilespmem:$0x1BD20] =	vst v63  }
0x82: {  	_ =	swait.ge [sflag:s30], $0x3000  }
0x83: {  	[sflag:s30] =	ssyncset.done $0x0  }
0x84: {  	s14 =	simm.s32 $0x3C80;
	[sflag:s30] =	ssyncadd.s32 $0xFFFFD000  }
0x85: {  	[spmem:s3] =	stream.indirect.scatter.add.f32 [tilespmem:s19], [sflag:$0x8], $0x10, s14, s18, $0xb8;
	[tilespmem:$0x1BD20] =	vst v63  }
0x86: {  	_ =	swait.ge [sflag:s1], $0x3000  }
0x87: {  	[sflag:s1] =	ssyncset.done $0x0  }
0x88: {  	s11 =	simm.s32 $0x3F80;
	[sflag:s1] =	ssyncadd.s32 $0xFFFFD000  }
0x89: {  	[spmem:s3] =	stream.indirect.scatter.add.f32 [tilespmem:s21], [sflag:$0x9], $0x10, s11, s18, $0xb8;
	[tilespmem:$0x1BD20] =	vst v63  }
0x8a: {  	_ =	swait.ge [sflag:s20], $0x3000  }
0x8b: {  	[sflag:s20] =	ssyncset.done $0x0  }
0x8c: {  	s14 =	simm.s32 $0x4280;
	[sflag:s20] =	ssyncadd.s32 $0xFFFFD000  }
0x8d: {  	[spmem:s3] =	stream.indirect.scatter.add.f32 [tilespmem:s23], [sflag:$0xA], $0x10, s14, s18, $0xb8;
	[tilespmem:$0x1BD20] =	vst v63  }
0x8e: {  	_ =	swait.ge [sflag:s24], $0x3000  }
0x8f: {  	[sflag:s24] =	ssyncset.done $0x0  }
0x90: {  	s11 =	simm.s32 $0x4580;
	[sflag:s24] =	ssyncadd.s32 $0xFFFFD000  }
0x91: {  	[spmem:s3] =	stream.indirect.scatter.add.f32 [tilespmem:s25], [sflag:$0xB], $0x10, s11, s18, $0xb8;
	[tilespmem:$0x1BD20] =	vst v63  }
0x92: {  	_ =	swait.ge [sflag:s31], $0x3000  }
0x93: {  	[sflag:s31] =	ssyncset.done $0x0  }
0x94: {  	s14 =	simm.s32 $0x4880;
	[sflag:s31] =	ssyncadd.s32 $0xFFFFD000  }
0x95: {  	[spmem:s3] =	stream.indirect.scatter.add.f32 [tilespmem:s28], [sflag:$0xC], $0x10, s14, s18, $0xb8;
	[tilespmem:$0x1BD20] =	vst v63  }
0x96: {  	_ =	swait.ge [sflag:s22], $0x3000  }
0x97: {  	[sflag:s22] =	ssyncset.done $0x0  }
0x98: {  	[sflag:s22] =	ssyncadd.s32 $0xFFFFD000  }
0x99: {  	_ =	swait.ge [sflag:s0], $0x3000  }
0x9a: {  	[sflag:s0] =	ssyncset.done $0x0  }
0x9b: {  	[sflag:s0] =	ssyncadd.s32 $0xFFFFD000  }
0x9c: {  	_ =	swait.ge [sflag:s26], $0x3000  }
0x9d: {  	[sflag:s26] =	ssyncset.done $0x0  }
0x9e: {  	[sflag:s26] =	ssyncadd.s32 $0xFFFFD000  }
0x9f: {  	_ =	swait.ge [sflag:s6], $0x3000  }
0xa0: {  	[sflag:s6] =	ssyncset.done $0x0  }
0xa1: {  	[sflag:s6] =	ssyncadd.s32 $0xFFFFD000  }
0xa2: {  	_ =	swait.ge [sflag:s7], $0x3000  }
0xa3: {  	[sflag:s7] =	ssyncset.done $0x0  }
0xa4: {  	[sflag:s7] =	ssyncadd.s32 $0xFFFFD000  }
0xa5: {  	_ =	swait.ge [sflag:s8], $0x3000  }
0xa6: {  	[sflag:s8] =	ssyncset.done $0x0  }
0xa7: {  	s11 =	simm.s32 $0x2400;
	[sflag:s8] =	ssyncadd.s32 $0xFFFFD000  }
0xa8: {  	[tilespmem:s17], [sflag:$0x1] =	stream.indirect.gather [spmem:s2], $0x10, s11, s18, $0xb8;
	[tilespmem:$0x1BD20] =	vst v63  }
0xa9: {  	_ =	swait.ge [sflag:s29], $0x3000  }
0xaa: {  	[sflag:s29] =	ssyncset.done $0x0  }
0xab: {  	s14 =	simm.s32 $0x4B80;
	[sflag:s29] =	ssyncadd.s32 $0xFFFFD000  }
0xac: {  	[spmem:s3] =	stream.indirect.scatter.add.f32 [tilespmem:s17], [sflag:$0xD], $0x10, s14, s18, $0xb8;
	[tilespmem:$0x1BD20] =	vst v63  }
0xad: {  	_ =	swait.ge [sflag:s13], $0x3000  }
0xae: {  	[sflag:s13] =	ssyncset.done $0x0  }
0xaf: {  	[sflag:s13] =	ssyncadd.s32 $0xFFFFD000  }
0xb0: {  	[bflag:$0x0] =	sbarrier.arrive $0xFFFF  }
0xb1: {  	s11 =	sshrl.u32 s10, $0x3;
	s14 =	rddreg [dreg:$0xa]  }
0xb2: {  	[hbm:s14], [sflag:s15] =	dma.local [spmem:s11], $0x4E2  }
0xb3: {  	_ =	swait.ge [sflag:s13], $0x4E2  }
0xb4: {  	s5 =	sadd.s32 $0x1, s5;
	s14 =	rddreg [dreg:$0xb]  }
0xb5: {  	p1 =	sne.s32 s5, s14  }
.Ltmp1:
0xb6: {  	_ = 	snop;
	(pc) =	sbr.rel @p1 .LBB2_1-.Ltmp1, $3  }
0xb7: {  	_ =	sdelay $0x1  }
0xb8: {  	[sflag:s13] =	ssyncset.done $0x0  }
0xb9: {  	[sflag:s13] =	ssyncadd.s32 $0xFFFFFB1E  }
0xba: {  	_ =	sfence.sel $0x180000  }
0xbb: {  	[bflag:$0x0] =	sbarrier.arrive $0xFFFF  }
0xbc: {  	_ =	strace $0x90000047  }
0xbd: {  	s0 =	stileid.u32;
	[bflag:$0x2] =	sbarrier.arrive $0xFFFF  }
0xbe: {  	p0 =	sne.s32 s0, $0x0;
	s0 =	rddreg [dreg:$0x4]  }
0xbf: {  	s0 =	sadd.s32 @!p0 $0x100000, s0  }
0xc0: {  	[sflag:s0] =	ssyncadd.tile.s32 @!p0 $0x1;
	_ =	shalt  }
.Lfunc_end2:
_tile_overlayer_lowered:
.L_overlay_start_2:
0xc1: {  	(tag) =	ssettag $0x2  }
0xc2: {  	s0 =	rddreg [dreg:$0x0];
	s2 =	stileid.u32  }
0xc3: {  	s1 =	rddreg [dreg:$0x1];
	p0 =	sne.s32 s2, $0x0  }
0xc4: {  	s3 =	rddreg [dreg:$0x2];
	[bflag:$0x3] =	sbarrier.arrive $0xFFFF;
	s2 =	simm.s32 @!p0 $0x1C0D  }
0xc5: {  	[timem:s3], [sflag:s2] =	dma.local @!p0 [hbm:s0], s1  }
0xc6: {  	s0 =	simm.s32 @!p0 $0xD  }
0xc7: {  	_ =	swait.ge @!p0 [sflag:s0], s1  }
0xc8: {  	s1 =	ssub.s32 @!p0 $0x0, s1;
	[sflag:s0] =	ssyncset.done @!p0 $0x0  }
0xc9: {  	[sflag:s0] =	ssyncadd.s32 @!p0 s1  }
0xca: {  	[bflag:$0x3] =	sbarrier.arrive $0xFFFF  }
0xcb: {  	_ =	shalt  }

</sc_bundles>
